<compile_context>
chip_gen: v7x
topology: tpu7x:2x2x1
jax: 0.10.2.dev20260603
libtpu: 0.0.44.dev20260713+nightly
codegen_flags: <defaults>
</compile_context>

<pallas_src>
import functools

import jax
import jax.numpy as jnp
from jax import lax
from jax.experimental import pallas as pl
from jax.experimental.pallas import tpu as pltpu
from jax.experimental.pallas import tpu_sc as plsc

N = 10000
E = 320000
IN_FEAT = 128
H = 4
DK = 32
F = H * DK
SCALE = 1.0 / (DK ** 0.5)
ROWLEN = 144
NC = 2
NS = 16
NW = NC * NS
EPW = E // NW
B = 80
NCHUNK = EPW // B
MAXPAD = 40960
MSL = MAXPAD // NS
NPAD = 10240
NSL = NPAD // NS
NEG = -3.0e38

_mesh = plsc.VectorSubcoreMesh(core_axis_name="c", subcore_axis_name="s")
_sc_params = pltpu.CompilerParams(needs_layout_passes=False,
                                  use_tc_tiling_on_sc=False)


def _dense_body(x_ref, wq_ref, wk_ref, wv_ref, lp_ref, ln_ref,
                ktab_ref, gtab_ref, vtab_ref):
    xb = x_ref[...]
    dn_t = (((1,), (1,)), ((), ()))
    q = lax.dot_general(xb, wq_ref[...], dn_t, preferred_element_type=jnp.float32)
    k = lax.dot_general(xb, wk_ref[...], dn_t, preferred_element_type=jnp.float32)
    v = lax.dot_general(xb, wv_ref[...], dn_t, preferred_element_type=jnp.float32)

    ka_parts, qa_parts, sk_parts, sq_parts = [], [], [], []
    for h in range(H):
        lp = lp_ref[h]
        ln = ln_ref[h]
        a_h = (lax.dot_general(lp, lp, (((1,), (1,)), ((), ())),
                               preferred_element_type=jnp.float32)
               - lax.dot_general(ln, ln, (((1,), (1,)), ((), ())),
                                 preferred_element_type=jnp.float32))
        kh = k[:, h * DK:(h + 1) * DK]
        qh = q[:, h * DK:(h + 1) * DK]
        kah = lax.dot_general(kh, a_h, (((1,), (0,)), ((), ())),
                              preferred_element_type=jnp.float32)
        qah = lax.dot_general(qh, a_h, (((1,), (0,)), ((), ())),
                              preferred_element_type=jnp.float32)
        ka_parts.append(kah)
        qa_parts.append(qah)
        sk_parts.append(jnp.sum(kh * kah, axis=1, keepdims=True))
        sq_parts.append(jnp.sum(qh * qah, axis=1, keepdims=True))

    bn = xb.shape[0]
    pad = jnp.zeros((bn, ROWLEN - F - H), jnp.float32)
    sk = SCALE * jnp.concatenate(sk_parts, axis=1)
    sq = SCALE * jnp.concatenate(sq_parts, axis=1)
    g2 = (-2.0 * SCALE) * jnp.concatenate(qa_parts, axis=1)
    ktab_ref[...] = jnp.concatenate([k, sk, pad], axis=1)
    gtab_ref[...] = jnp.concatenate([g2, sq, pad], axis=1)
    vtab_ref[...] = v


def _dense_tables(x, wq, wk, wv, lp, ln):
    bn = 1000
    grid = (N // bn,)
    full = lambda shape: pl.BlockSpec(shape, lambda i: tuple(0 for _ in shape))
    return pl.pallas_call(
        _dense_body,
        grid=grid,
        in_specs=[
            pl.BlockSpec((bn, IN_FEAT), lambda i: (i, 0)),
            full((F, IN_FEAT)), full((F, IN_FEAT)), full((F, IN_FEAT)),
            full((H, DK, DK)), full((H, DK, DK)),
        ],
        out_specs=[
            pl.BlockSpec((bn, ROWLEN), lambda i: (i, 0)),
            pl.BlockSpec((bn, ROWLEN), lambda i: (i, 0)),
            pl.BlockSpec((bn, F), lambda i: (i, 0)),
        ],
        out_shape=[
            jax.ShapeDtypeStruct((N, ROWLEN), jnp.float32),
            jax.ShapeDtypeStruct((N, ROWLEN), jnp.float32),
            jax.ShapeDtypeStruct((N, F), jnp.float32),
        ],
    )(x, wq, wk, wv, lp, ln)


def _pass1_body(ktab, gtab, row_hbm, col_hbm, scores_hbm, maxout,
                kbuf, gbuf, rowbuf, colbuf, scorebuf, stage, maxtab,
                tmpa, tmpb, spm):
    cid = lax.axis_index("c")
    sid = lax.axis_index("s")
    wid = cid * NS + sid
    iota = lax.iota(jnp.int32, 16)
    lane_lt4 = iota < 4
    didx = iota * 16 + 15

    @pl.loop(0, MAXPAD // 16)
    def _(i):
        maxtab[pl.ds(i * 16, 16)] = jnp.full((16,), NEG, jnp.float32)

    @pl.loop(0, NCHUNK)
    def _chunk(c):
        base = wid * EPW + c * B
        pltpu.sync_copy(row_hbm.at[pl.ds(base, B)], rowbuf)
        pltpu.sync_copy(col_hbm.at[pl.ds(base, B)], colbuf)
        pltpu.sync_copy(ktab.at[rowbuf], kbuf)
        pltpu.sync_copy(gtab.at[colbuf], gbuf)

        @pl.loop(0, B)
        def _edge(b):
            for h in range(H):
                k0 = kbuf[b, pl.ds(32 * h, 16)]
                k1 = kbuf[b, pl.ds(32 * h + 16, 16)]
                g0 = gbuf[b, pl.ds(32 * h, 16)]
                g1 = gbuf[b, pl.ds(32 * h + 16, 16)]
                t = k0 * g0 + k1 * g1
                stage[pl.ds(16 * h, 16)] = plsc.cumsum(t)
            dots = plsc.load_gather(stage, [didx])
            srow = kbuf[b, pl.ds(F, 16)]
            scol = gbuf[b, pl.ds(F, 16)]
            sc = srow + scol + dots
            sc = jnp.where(sc > 0, sc, 0.2 * sc)
            plsc.store_scatter(scorebuf, [4 * b + iota], sc, mask=lane_lt4)
            rv = plsc.load_gather(rowbuf, [jnp.full((16,), b, jnp.int32)])
            midx = rv * 4 + iota
            cur = plsc.load_gather(maxtab, [midx], mask=lane_lt4)
            plsc.store_scatter(maxtab, [midx], jnp.maximum(cur, sc),
                               mask=lane_lt4)

        pltpu.sync_copy(scorebuf.at[pl.ds(0, 4 * B)],
                        scores_hbm.at[pl.ds(base * 4, 4 * B)])

    pltpu.sync_copy(maxtab, spm.at[sid])
    plsc.subcore_barrier()
    sl = pl.ds(sid * MSL, MSL)
    pltpu.sync_copy(spm.at[0, sl], tmpa)

    @pl.loop(1, NS)
    def _tbl(t):
        pltpu.sync_copy(spm.at[t, sl], tmpb)

        @pl.loop(0, MSL // 16)
        def _vec(i):
            v = pl.ds(i * 16, 16)
            tmpa[v] = jnp.maximum(tmpa[v], tmpb[v])

    pltpu.sync_copy(tmpa, maxout.at[cid, pl.ds(sid * MSL, MSL)])


def _sc_pass1(ktab, gtab, row, col):
    kern = pl.kernel(
        _pass1_body,
        out_type=[
            jax.ShapeDtypeStruct((4 * E,), jnp.float32),
            jax.ShapeDtypeStruct((NC, MAXPAD), jnp.float32),
        ],
        mesh=_mesh,
        compiler_params=_sc_params,
        scratch_types=[
            pltpu.VMEM((B, ROWLEN), jnp.float32),
            pltpu.VMEM((B, ROWLEN), jnp.float32),
            pltpu.VMEM((B,), jnp.int32),
            pltpu.VMEM((B,), jnp.int32),
            pltpu.VMEM((4 * B + 16,), jnp.float32),
            pltpu.VMEM((256,), jnp.float32),
            pltpu.VMEM((MAXPAD,), jnp.float32),
            pltpu.VMEM((MSL,), jnp.float32),
            pltpu.VMEM((MSL,), jnp.float32),
            pltpu.VMEM_SHARED((NS, MAXPAD), jnp.float32),
        ],
    )
    return kern(ktab, gtab, row, col)


def _pass2_body(vtab, scores_hbm, maxm, row_hbm, col_hbm, parts,
                mbuf, vbuf, cbuf, rowbuf, colbuf, scorebuf, ebuf,
                zbuf, outsh):
    cid = lax.axis_index("c")
    sid = lax.axis_index("s")
    wid = cid * NS + sid
    iota = lax.iota(jnp.int32, 16)
    lane_lt4 = iota < 4

    @pl.loop(0, 16)
    def _z(i):
        for v in range(ROWLEN // 16):
            zbuf[i, pl.ds(v * 16, 16)] = jnp.zeros((16,), jnp.float32)

    @pl.loop(0, NSL // 16)
    def _zc(kk):
        pltpu.sync_copy(zbuf, outsh.at[pl.ds(sid * NSL + kk * 16, 16)])

    plsc.subcore_barrier()

    @pl.loop(0, NCHUNK)
    def _chunk(c):
        base = wid * EPW + c * B
        pltpu.sync_copy(row_hbm.at[pl.ds(base, B)], rowbuf)
        pltpu.sync_copy(col_hbm.at[pl.ds(base, B)], colbuf)
        pltpu.sync_copy(scores_hbm.at[pl.ds(base * 4, 4 * B)],
                        scorebuf.at[pl.ds(0, 4 * B)])
        pltpu.sync_copy(vtab.at[colbuf], vbuf)
        pltpu.sync_copy(maxm.at[rowbuf], mbuf)

        @pl.loop(0, B)
        def _edge(b):
            sv = scorebuf[pl.ds(4 * b, 16)]
            mx = mbuf[b, pl.ds(0, 16)]
            e = jnp.exp(sv - mx)
            e = jnp.where(lane_lt4, e, 0.0)
            for h in range(H):
                wh = jnp.sum(jnp.where(iota == h, e, 0.0))
                cbuf[b, pl.ds(32 * h, 16)] = vbuf[b, pl.ds(32 * h, 16)] * wh
                cbuf[b, pl.ds(32 * h + 16, 16)] = (
                    vbuf[b, pl.ds(32 * h + 16, 16)] * wh)
            cbuf[b, pl.ds(F, 16)] = e

        pltpu.sync_copy(cbuf, outsh.at[rowbuf], add=True)

    plsc.subcore_barrier()
    sl = pl.ds(sid * NSL, NSL)
    pltpu.sync_copy(outsh.at[sl], parts.at[cid, sl])


def _sc_pass2(vtab, scores, maxm, row, col):
    kern = pl.kernel(
        _pass2_body,
        out_type=jax.ShapeDtypeStruct((NC, NPAD, ROWLEN), jnp.float32),
        mesh=_mesh,
        compiler_params=_sc_params,
        scratch_types=[
            pltpu.VMEM((B, 16), jnp.float32),
            pltpu.VMEM((B, F), jnp.float32),
            pltpu.VMEM((B, ROWLEN), jnp.float32),
            pltpu.VMEM((B,), jnp.int32),
            pltpu.VMEM((B,), jnp.int32),
            pltpu.VMEM((4 * B + 16,), jnp.float32),
            pltpu.VMEM((16,), jnp.float32),
            pltpu.VMEM((16, ROWLEN), jnp.float32),
            pltpu.VMEM_SHARED((NPAD, ROWLEN), jnp.float32),
        ],
    )
    return kern(vtab, scores, maxm, row, col)


def _maxmerge_body(m_ref, out_ref):
    m = m_ref[...]
    mx = jnp.maximum(m[0], m[1])
    bn = mx.shape[0]
    out_ref[...] = jnp.concatenate(
        [mx, jnp.zeros((bn, 12), jnp.float32)], axis=1)


def _merge_max(maxtabs):
    m = maxtabs.reshape(NC, NPAD, 4)
    bn = 1024
    return pl.pallas_call(
        _maxmerge_body,
        grid=(NPAD // bn,),
        in_specs=[pl.BlockSpec((NC, bn, 4), lambda i: (0, i, 0))],
        out_specs=pl.BlockSpec((bn, 16), lambda i: (i, 0)),
        out_shape=jax.ShapeDtypeStruct((NPAD, 16), jnp.float32),
    )(m)


def _final_body(parts_ref, out_ref):
    p = parts_ref[...]
    s = p[0] + p[1]
    num = s[:, :F]
    den = s[:, F:F + H] + 1e-16
    bn = num.shape[0]
    den128 = jnp.concatenate(
        [jnp.broadcast_to(den[:, h:h + 1], (bn, DK)) for h in range(H)],
        axis=1)
    out_ref[...] = num / den128


def _finalize(parts):
    bn = 1000
    return pl.pallas_call(
        _final_body,
        grid=(N // bn,),
        in_specs=[pl.BlockSpec((NC, bn, ROWLEN), lambda i: (0, i, 0))],
        out_specs=pl.BlockSpec((bn, F), lambda i: (i, 0)),
        out_shape=jax.ShapeDtypeStruct((N, F), jnp.float32),
    )(parts)


@jax.jit
def kernel(x, edge_index, W_q, W_k, W_v, L_pos, L_neg):
    row = edge_index[0]
    col = edge_index[1]
    ktab, gtab, vtab = _dense_tables(x, W_q, W_k, W_v, L_pos, L_neg)
    scores, maxtabs = _sc_pass1(ktab, gtab, row, col)
    maxm = _merge_max(maxtabs)
    parts = _sc_pass2(vtab, scores, maxm, row, col)
    return _finalize(parts)

# --- scband reference (transcript-rebuilt; emitter-appended) ---
"""Pipeline reference for scband-ggat-signature-decomp-77360950936035 (READ-ONLY COPY).

The authoritative reference and input builder live on the scoring server;
editing this copy changes nothing except your own understanding.
"""

import jax, jax.numpy as jnp
import numpy as np

N_NODES = 10000
N_EDGES = 320000
IN_FEAT = 128
HEADS = 4
D_K = 32
RANK = 32
OUT_TOTAL = HEADS * D_K


def setup_inputs(seed: int = 0) -> dict:
    key = jax.random.key(seed)
    k_x, k_e, k_q, k_k, k_v, k_lp, k_ln = jax.random.split(key, 7)
    x = jax.random.normal(k_x, (N_NODES, IN_FEAT), dtype=jnp.float32)
    edge_index = jax.random.randint(k_e, (2, N_EDGES), 0, N_NODES, dtype=jnp.int32)
    # torch Linear weights: [out_features_total, in_features], xavier-ish init
    xav = np.sqrt(2.0 / (IN_FEAT + OUT_TOTAL))
    W_q = jax.random.normal(k_q, (OUT_TOTAL, IN_FEAT), dtype=jnp.float32) * xav
    W_k = jax.random.normal(k_k, (OUT_TOTAL, IN_FEAT), dtype=jnp.float32) * xav
    W_v = jax.random.normal(k_v, (OUT_TOTAL, IN_FEAT), dtype=jnp.float32) * xav
    eye = jnp.tile(jnp.eye(D_K, RANK, dtype=jnp.float32)[None], (HEADS, 1, 1))
    L_pos = eye + 0.01 * jax.random.normal(k_lp, (HEADS, D_K, RANK), dtype=jnp.float32)
    L_neg = 0.01 * jax.random.normal(k_ln, (HEADS, D_K, RANK), dtype=jnp.float32)
    return {"x": x, "edge_index": edge_index, "W_q": W_q, "W_k": W_k, "W_v": W_v, "L_pos": L_pos, "L_neg": L_neg}


def reference(x, edge_index, W_q, W_k, W_v, L_pos, L_neg):
    num_nodes = x.shape[0]
    H = L_pos.shape[0]
    d_k = L_pos.shape[1]
    scale = 1.0 / np.sqrt(d_k)
    Q = (x @ W_q.T).reshape(num_nodes, H, d_k)
    K = (x @ W_k.T).reshape(num_nodes, H, d_k)
    V = (x @ W_v.T).reshape(num_nodes, H, d_k)
    row = edge_index[0]
    col = edge_index[1]
    diff = K[row] - Q[col]                                  # [E, H, d_k] gather
    proj_pos = jnp.einsum('ehd,hdr->ehr', diff, L_pos)      # [E, H, r]
    proj_neg = jnp.einsum('ehd,hdr->ehr', diff, L_neg)
    quad_pos = jnp.sum(proj_pos ** 2, axis=-1)              # [E, H]
    quad_neg = jnp.sum(proj_neg ** 2, axis=-1)
    scores = quad_pos - quad_neg
    scores = jax.nn.leaky_relu(scores * scale, negative_slope=0.2)
    # segment softmax over destination index `row`
    seg_max = jax.ops.segment_max(scores, row, num_segments=num_nodes)  # [N, H]
    seg_max = jnp.where(jnp.isfinite(seg_max), seg_max, 0.0)
    ex = jnp.exp(scores - seg_max[row])
    denom = jax.ops.segment_sum(ex, row, num_segments=num_nodes)
    alpha = ex / (denom[row] + 1e-16)                       # [E, H]
    # dropout p=0.0 -> identity
    out = jnp.zeros((num_nodes, H, d_k), dtype=x.dtype).at[row].add(alpha[..., None] * V[col])
    return out.reshape(num_nodes, H * d_k)

if __name__ == "__main__":
    import jax
    _d = setup_inputs()
    print(jax.jit(kernel)(*tuple(_d.values())))

</pallas_src>

<mosaic_0001>
#map = affine_map<(d0, d1) -> (0, 0)>
#map1 = affine_map<(d0, d1) -> (0)>
#map2 = affine_map<(d0, d1) -> (0, 0, 0)>
module attributes {stable_mosaic.version = 14 : i64} {
  func.func @_pass2_body(%arg0: i32, %arg1: i32, %arg2: memref<10000x128xf32, #tpu.memory_space<hbm>>, %arg3: memref<1280000xf32, #tpu.memory_space<hbm>>, %arg4: memref<10240x16xf32, #tpu.memory_space<hbm>>, %arg5: memref<320000xi32, #tpu.memory_space<hbm>>, %arg6: memref<320000xi32, #tpu.memory_space<hbm>>, %arg7: memref<2x10240x144xf32, #tpu.memory_space<hbm>>, %arg8: memref<80x16xf32, #tpu.memory_space<vmem>>, %arg9: memref<80x128xf32, #tpu.memory_space<vmem>>, %arg10: memref<80x144xf32, #tpu.memory_space<vmem>>, %arg11: memref<80xi32, #tpu.memory_space<vmem>>, %arg12: memref<80xi32, #tpu.memory_space<vmem>>, %arg13: memref<336xf32, #tpu.memory_space<vmem>>, %arg14: memref<16xf32, #tpu.memory_space<vmem>>, %arg15: memref<16x144xf32, #tpu.memory_space<vmem>>, %arg16: memref<10240x144xf32, #tpu.memory_space<vmem_shared>>) attributes {dimension_semantics = [#tpu.dimension_semantics<core_parallel>, #tpu.dimension_semantics<subcore_parallel>], iteration_bounds = array<i64: 2, 16>, scalar_prefetch = 0 : i64, scratch_operands = 9 : i64, tpu.core_type = #tpu.core_type<sc_vector_subcore>, window_params = [{transform_indices = #map}, {transform_indices = #map1}, {transform_indices = #map}, {transform_indices = #map1}, {transform_indices = #map1}, {transform_indices = #map2}]} {
    %mul3A = arith.constant 16 : i32
    %mul3A_0 = arith.muli %arg0, %mul3A : i32
    %add3A = arith.addi %mul3A_0, %arg1 : i32
    %iota3A = tpu.iota {dimensions = array<i32: 0>} : vector<16xi32>
    %lt3A = arith.constant 4 : i32
    %lt3A_1 = vector.broadcast %lt3A : i32 to vector<16xi32>
    %lt3A_2 = arith.cmpi slt, %iota3A, %lt3A_1 : vector<16xi32>
    %scan3A = arith.constant 0 : i32
    %scan3A_3 = arith.constant 16 : i32
    %scan3A_4 = arith.addi %scan3A, %scan3A_3 : i32
    %scan3A_5 = arith.constant 1 : i32
    scf.for %scan3A_20 = %scan3A to %scan3A_4 step %scan3A_5  : i32 {
      %mul3A_21 = arith.constant 1 : i32
      %mul3A_22 = arith.muli %scan3A_20, %mul3A_21 : i32
      %add3A_23 = arith.constant 0 : i32
      %add3A_24 = arith.addi %add3A_23, %mul3A_22 : i32
      %broadcast_in_dim3A = arith.constant 0.000000e+00 : f32
      %broadcast_in_dim3A_25 = vector.broadcast %broadcast_in_dim3A : f32 to vector<16xf32>
      %swap3A = arith.index_cast %add3A_24 : i32 to index
      %swap3A_26 = arith.constant 0 : index
      %swap3A_27 = tpu.vector_load %arg15[%swap3A, %swap3A_26] {strides = array<i32>} : memref<16x144xf32, #tpu.memory_space<vmem>>, vector<16xf32>,
      tpu.vector_store %arg15[%swap3A, %swap3A_26], %broadcast_in_dim3A_25 {strides = array<i32>} : memref<16x144xf32, #tpu.memory_space<vmem>>, vector<16xf32>,
      %broadcast_in_dim3A_28 = arith.constant 0.000000e+00 : f32
      %broadcast_in_dim3A_29 = vector.broadcast %broadcast_in_dim3A_28 : f32 to vector<16xf32>
      %swap3A_30 = arith.index_cast %add3A_24 : i32 to index
      %swap3A_31 = arith.constant 16 : index
      %swap3A_32 = tpu.vector_load %arg15[%swap3A_30, %swap3A_31] {strides = array<i32>} : memref<16x144xf32, #tpu.memory_space<vmem>>, vector<16xf32>,
      tpu.vector_store %arg15[%swap3A_30, %swap3A_31], %broadcast_in_dim3A_29 {strides = array<i32>} : memref<16x144xf32, #tpu.memory_space<vmem>>, vector<16xf32>,
      %broadcast_in_dim3A_33 = arith.constant 0.000000e+00 : f32
      %broadcast_in_dim3A_34 = vector.broadcast %broadcast_in_dim3A_33 : f32 to vector<16xf32>
      %swap3A_35 = arith.index_cast %add3A_24 : i32 to index
      %swap3A_36 = arith.constant 32 : index
      %swap3A_37 = tpu.vector_load %arg15[%swap3A_35, %swap3A_36] {strides = array<i32>} : memref<16x144xf32, #tpu.memory_space<vmem>>, vector<16xf32>,
      tpu.vector_store %arg15[%swap3A_35, %swap3A_36], %broadcast_in_dim3A_34 {strides = array<i32>} : memref<16x144xf32, #tpu.memory_space<vmem>>, vector<16xf32>,
      %broadcast_in_dim3A_38 = arith.constant 0.000000e+00 : f32
      %broadcast_in_dim3A_39 = vector.broadcast %broadcast_in_dim3A_38 : f32 to vector<16xf32>
      %swap3A_40 = arith.index_cast %add3A_24 : i32 to index
      %swap3A_41 = arith.constant 48 : index
      %swap3A_42 = tpu.vector_load %arg15[%swap3A_40, %swap3A_41] {strides = array<i32>} : memref<16x144xf32, #tpu.memory_space<vmem>>, vector<16xf32>,
      tpu.vector_store %arg15[%swap3A_40, %swap3A_41], %broadcast_in_dim3A_39 {strides = array<i32>} : memref<16x144xf32, #tpu.memory_space<vmem>>, vector<16xf32>,
      %broadcast_in_dim3A_43 = arith.constant 0.000000e+00 : f32
      %broadcast_in_dim3A_44 = vector.broadcast %broadcast_in_dim3A_43 : f32 to vector<16xf32>
      %swap3A_45 = arith.index_cast %add3A_24 : i32 to index
      %swap3A_46 = arith.constant 64 : index
      %swap3A_47 = tpu.vector_load %arg15[%swap3A_45, %swap3A_46] {strides = array<i32>} : memref<16x144xf32, #tpu.memory_space<vmem>>, vector<16xf32>,
      tpu.vector_store %arg15[%swap3A_45, %swap3A_46], %broadcast_in_dim3A_44 {strides = array<i32>} : memref<16x144xf32, #tpu.memory_space<vmem>>, vector<16xf32>,
      %broadcast_in_dim3A_48 = arith.constant 0.000000e+00 : f32
      %broadcast_in_dim3A_49 = vector.broadcast %broadcast_in_dim3A_48 : f32 to vector<16xf32>
      %swap3A_50 = arith.index_cast %add3A_24 : i32 to index
      %swap3A_51 = arith.constant 80 : index
      %swap3A_52 = tpu.vector_load %arg15[%swap3A_50, %swap3A_51] {strides = array<i32>} : memref<16x144xf32, #tpu.memory_space<vmem>>, vector<16xf32>,
      tpu.vector_store %arg15[%swap3A_50, %swap3A_51], %broadcast_in_dim3A_49 {strides = array<i32>} : memref<16x144xf32, #tpu.memory_space<vmem>>, vector<16xf32>,
      %broadcast_in_dim3A_53 = arith.constant 0.000000e+00 : f32
      %broadcast_in_dim3A_54 = vector.broadcast %broadcast_in_dim3A_53 : f32 to vector<16xf32>
      %swap3A_55 = arith.index_cast %add3A_24 : i32 to index
      %swap3A_56 = arith.constant 96 : index
      %swap3A_57 = tpu.vector_load %arg15[%swap3A_55, %swap3A_56] {strides = array<i32>} : memref<16x144xf32, #tpu.memory_space<vmem>>, vector<16xf32>,
      tpu.vector_store %arg15[%swap3A_55, %swap3A_56], %broadcast_in_dim3A_54 {strides = array<i32>} : memref<16x144xf32, #tpu.memory_space<vmem>>, vector<16xf32>,
      %broadcast_in_dim3A_58 = arith.constant 0.000000e+00 : f32
      %broadcast_in_dim3A_59 = vector.broadcast %broadcast_in_dim3A_58 : f32 to vector<16xf32>
      %swap3A_60 = arith.index_cast %add3A_24 : i32 to index
      %swap3A_61 = arith.constant 112 : index
      %swap3A_62 = tpu.vector_load %arg15[%swap3A_60, %swap3A_61] {strides = array<i32>} : memref<16x144xf32, #tpu.memory_space<vmem>>, vector<16xf32>,
      tpu.vector_store %arg15[%swap3A_60, %swap3A_61], %broadcast_in_dim3A_59 {strides = array<i32>} : memref<16x144xf32, #tpu.memory_space<vmem>>, vector<16xf32>,
      %broadcast_in_dim3A_63 = arith.constant 0.000000e+00 : f32
      %broadcast_in_dim3A_64 = vector.broadcast %broadcast_in_dim3A_63 : f32 to vector<16xf32>
      %swap3A_65 = arith.index_cast %add3A_24 : i32 to index
      %swap3A_66 = arith.constant 128 : index
      %swap3A_67 = tpu.vector_load %arg15[%swap3A_65, %swap3A_66] {strides = array<i32>} : memref<16x144xf32, #tpu.memory_space<vmem>>, vector<16xf32>,
      tpu.vector_store %arg15[%swap3A_65, %swap3A_66], %broadcast_in_dim3A_64 {strides = array<i32>} : memref<16x144xf32, #tpu.memory_space<vmem>>, vector<16xf32>,
    }
    %scan3A_6 = arith.constant 16 : i32
    %scan3A_7 = arith.constant 0 : i32
    %scan3A_8 = arith.constant 40 : i32
    %scan3A_9 = arith.addi %scan3A_7, %scan3A_8 : i32
    %scan3A_10 = arith.constant 1 : i32
    scf.for %scan3A_20 = %scan3A_7 to %scan3A_9 step %scan3A_10  : i32 {
      %mul3A_21 = arith.constant 1 : i32
      %mul3A_22 = arith.muli %scan3A_20, %mul3A_21 : i32
      %add3A_23 = arith.constant 0 : i32
      %add3A_24 = arith.addi %add3A_23, %mul3A_22 : i32
      %mul3A_25 = arith.constant 640 : i32
      %mul3A_26 = arith.muli %arg1, %mul3A_25 : i32
      %mul3A_27 = arith.constant 16 : i32
      %mul3A_28 = arith.muli %add3A_24, %mul3A_27 : i32
      %add3A_29 = arith.addi %mul3A_26, %mul3A_28 : i32
      "tpu.region"() ({
        %run_scoped3A = tpu.sem_alloc : memref<!tpu.dma_semaphore, #tpu.memory_space<semaphore_mem>>
        %dma_start3A = arith.constant 0 : i32
        %dma_start3A_30 = tpu.memref_slice %arg16[%add3A_29, %dma_start3A] : memref<10240x144xf32, #tpu.memory_space<vmem_shared>> -> memref<16x144xf32, #tpu.memory_space<vmem_shared>>
        %dma_start3A_31 = arith.constant 0 : i32
        %dma_start3A_32 = tpu.memref_slice %arg16[%add3A_29, %dma_start3A_31] : memref<10240x144xf32, #tpu.memory_space<vmem_shared>> -> memref<16x144xf32, #tpu.memory_space<vmem_shared>>
        tpu.enqueue_dma source(%arg15 : memref<16x144xf32, #tpu.memory_space<vmem>>) target(%dma_start3A_32 : memref<16x144xf32, #tpu.memory_space<vmem_shared>>) target_semaphore(%run_scoped3A : memref<!tpu.dma_semaphore, #tpu.memory_space<semaphore_mem>>)
        %dma_wait3A = arith.constant 0 : i32
        %dma_wait3A_33 = tpu.memref_slice %arg16[%add3A_29, %dma_wait3A] : memref<10240x144xf32, #tpu.memory_space<vmem_shared>> -> memref<16x144xf32, #tpu.memory_space<vmem_shared>>
        %dma_wait3A_34 = arith.constant 0 : i32
        %dma_wait3A_35 = tpu.memref_slice %arg16[%add3A_29, %dma_wait3A_34] : memref<10240x144xf32, #tpu.memory_space<vmem_shared>> -> memref<16x144xf32, #tpu.memory_space<vmem_shared>>
        tpu.wait_dma2 semaphore(%run_scoped3A : memref<!tpu.dma_semaphore, #tpu.memory_space<semaphore_mem>>) src(%arg15 : memref<16x144xf32, #tpu.memory_space<vmem>>) dst(%dma_wait3A_35 : memref<16x144xf32, #tpu.memory_space<vmem_shared>>)
        tpu.yield
      }) : () -> ()
    }
    %scan3A_11 = arith.constant 40 : i32
    %barrier3A = arith.constant 0 : index
    tpu.barrier barrier_id(%barrier3A)
    %scan3A_12 = arith.constant 0 : i32
    %scan3A_13 = arith.constant 125 : i32
    %scan3A_14 = arith.addi %scan3A_12, %scan3A_13 : i32
    %scan3A_15 = arith.constant 1 : i32
    scf.for %scan3A_20 = %scan3A_12 to %scan3A_14 step %scan3A_15  : i32 {
      %mul3A_21 = arith.constant 1 : i32
      %mul3A_22 = arith.muli %scan3A_20, %mul3A_21 : i32
      %add3A_23 = arith.constant 0 : i32
      %add3A_24 = arith.addi %add3A_23, %mul3A_22 : i32
      %mul3A_25 = arith.constant 10000 : i32
      %mul3A_26 = arith.muli %add3A, %mul3A_25 : i32
      %mul3A_27 = arith.constant 80 : i32
      %mul3A_28 = arith.muli %add3A_24, %mul3A_27 : i32
      %add3A_29 = arith.addi %mul3A_26, %mul3A_28 : i32
      "tpu.region"() ({
        %run_scoped3A = tpu.sem_alloc : memref<!tpu.dma_semaphore, #tpu.memory_space<semaphore_mem>>
        %dma_start3A = tpu.memref_slice %arg5[%add3A_29] : memref<320000xi32, #tpu.memory_space<hbm>> -> memref<80xi32, #tpu.memory_space<hbm>>
        %dma_start3A_37 = tpu.memref_slice %arg5[%add3A_29] : memref<320000xi32, #tpu.memory_space<hbm>> -> memref<80xi32, #tpu.memory_space<hbm>>
        tpu.enqueue_dma source(%dma_start3A_37 : memref<80xi32, #tpu.memory_space<hbm>>) target(%arg11 : memref<80xi32, #tpu.memory_space<vmem>>) target_semaphore(%run_scoped3A : memref<!tpu.dma_semaphore, #tpu.memory_space<semaphore_mem>>)
        %dma_wait3A = tpu.memref_slice %arg5[%add3A_29] : memref<320000xi32, #tpu.memory_space<hbm>> -> memref<80xi32, #tpu.memory_space<hbm>>
        %dma_wait3A_38 = tpu.memref_slice %arg5[%add3A_29] : memref<320000xi32, #tpu.memory_space<hbm>> -> memref<80xi32, #tpu.memory_space<hbm>>
        tpu.wait_dma2 semaphore(%run_scoped3A : memref<!tpu.dma_semaphore, #tpu.memory_space<semaphore_mem>>) src(%dma_wait3A_38 : memref<80xi32, #tpu.memory_space<hbm>>) dst(%arg11 : memref<80xi32, #tpu.memory_space<vmem>>)
        tpu.yield
      }) : () -> ()
      "tpu.region"() ({
        %run_scoped3A = tpu.sem_alloc : memref<!tpu.dma_semaphore, #tpu.memory_space<semaphore_mem>>
        %dma_start3A = tpu.memref_slice %arg6[%add3A_29] : memref<320000xi32, #tpu.memory_space<hbm>> -> memref<80xi32, #tpu.memory_space<hbm>>
        %dma_start3A_37 = tpu.memref_slice %arg6[%add3A_29] : memref<320000xi32, #tpu.memory_space<hbm>> -> memref<80xi32, #tpu.memory_space<hbm>>
        tpu.enqueue_dma source(%dma_start3A_37 : memref<80xi32, #tpu.memory_space<hbm>>) target(%arg12 : memref<80xi32, #tpu.memory_space<vmem>>) target_semaphore(%run_scoped3A : memref<!tpu.dma_semaphore, #tpu.memory_space<semaphore_mem>>)
        %dma_wait3A = tpu.memref_slice %arg6[%add3A_29] : memref<320000xi32, #tpu.memory_space<hbm>> -> memref<80xi32, #tpu.memory_space<hbm>>
        %dma_wait3A_38 = tpu.memref_slice %arg6[%add3A_29] : memref<320000xi32, #tpu.memory_space<hbm>> -> memref<80xi32, #tpu.memory_space<hbm>>
        tpu.wait_dma2 semaphore(%run_scoped3A : memref<!tpu.dma_semaphore, #tpu.memory_space<semaphore_mem>>) src(%dma_wait3A_38 : memref<80xi32, #tpu.memory_space<hbm>>) dst(%arg12 : memref<80xi32, #tpu.memory_space<vmem>>)
        tpu.yield
      }) : () -> ()
      %mul3A_30 = arith.constant 4 : i32
      %mul3A_31 = arith.muli %add3A_29, %mul3A_30 : i32
      "tpu.region"() ({
        %run_scoped3A = tpu.sem_alloc : memref<!tpu.dma_semaphore, #tpu.memory_space<semaphore_mem>>
        %dma_start3A = arith.constant 0 : i32
        %dma_start3A_37 = tpu.memref_slice %arg13[%dma_start3A] : memref<336xf32, #tpu.memory_space<vmem>> -> memref<320xf32, #tpu.memory_space<vmem>>
        %dma_start3A_38 = tpu.memref_slice %arg3[%mul3A_31] : memref<1280000xf32, #tpu.memory_space<hbm>> -> memref<320xf32, #tpu.memory_space<hbm>>
        %dma_start3A_39 = arith.constant 0 : i32
        %dma_start3A_40 = tpu.memref_slice %arg13[%dma_start3A_39] : memref<336xf32, #tpu.memory_space<vmem>> -> memref<320xf32, #tpu.memory_space<vmem>>
        %dma_start3A_41 = tpu.memref_slice %arg3[%mul3A_31] : memref<1280000xf32, #tpu.memory_space<hbm>> -> memref<320xf32, #tpu.memory_space<hbm>>
        tpu.enqueue_dma source(%dma_start3A_41 : memref<320xf32, #tpu.memory_space<hbm>>) target(%dma_start3A_40 : memref<320xf32, #tpu.memory_space<vmem>>) target_semaphore(%run_scoped3A : memref<!tpu.dma_semaphore, #tpu.memory_space<semaphore_mem>>)
        %dma_wait3A = arith.constant 0 : i32
        %dma_wait3A_42 = tpu.memref_slice %arg13[%dma_wait3A] : memref<336xf32, #tpu.memory_space<vmem>> -> memref<320xf32, #tpu.memory_space<vmem>>
        %dma_wait3A_43 = tpu.memref_slice %arg3[%mul3A_31] : memref<1280000xf32, #tpu.memory_space<hbm>> -> memref<320xf32, #tpu.memory_space<hbm>>
        %dma_wait3A_44 = arith.constant 0 : i32
        %dma_wait3A_45 = tpu.memref_slice %arg13[%dma_wait3A_44] : memref<336xf32, #tpu.memory_space<vmem>> -> memref<320xf32, #tpu.memory_space<vmem>>
        %dma_wait3A_46 = tpu.memref_slice %arg3[%mul3A_31] : memref<1280000xf32, #tpu.memory_space<hbm>> -> memref<320xf32, #tpu.memory_space<hbm>>
        tpu.wait_dma2 semaphore(%run_scoped3A : memref<!tpu.dma_semaphore, #tpu.memory_space<semaphore_mem>>) src(%dma_wait3A_46 : memref<320xf32, #tpu.memory_space<hbm>>) dst(%dma_wait3A_45 : memref<320xf32, #tpu.memory_space<vmem>>)
        tpu.yield
      }) : () -> ()
      "tpu.region"() ({
        %run_scoped3A = tpu.sem_alloc : memref<!tpu.dma_semaphore, #tpu.memory_space<semaphore_mem>>
        %dma_start3A = arith.constant 0 : i32
        %dma_start3A_37 = arith.constant 0 : i32
        %dma_start3A_38 = tpu.memref_slice %arg2[%dma_start3A, %dma_start3A_37] : memref<10000x128xf32, #tpu.memory_space<hbm>> -> memref<10000x128xf32, #tpu.memory_space<hbm>>
        tpu.enqueue_indirect_dma source(%dma_start3A_38 : memref<10000x128xf32, #tpu.memory_space<hbm>>) target(%arg9 : memref<80x128xf32, #tpu.memory_space<vmem>>) offsets(%arg12 : memref<80xi32, #tpu.memory_space<vmem>>) semaphore(%run_scoped3A : memref<!tpu.dma_semaphore, #tpu.memory_space<semaphore_mem>>)
        %dma_wait3A = arith.constant 0 : i32
        %dma_wait3A_39 = arith.constant 0 : i32
        %dma_wait3A_40 = tpu.memref_slice %arg2[%dma_wait3A, %dma_wait3A_39] : memref<10000x128xf32, #tpu.memory_space<hbm>> -> memref<10000x128xf32, #tpu.memory_space<hbm>>
        tpu.wait_indirect_dma semaphore(%run_scoped3A : memref<!tpu.dma_semaphore, #tpu.memory_space<semaphore_mem>>) src(%dma_wait3A_40 : memref<10000x128xf32, #tpu.memory_space<hbm>>) dst(%arg9 : memref<80x128xf32, #tpu.memory_space<vmem>>)
        tpu.yield
      }) : () -> ()
      "tpu.region"() ({
        %run_scoped3A = tpu.sem_alloc : memref<!tpu.dma_semaphore, #tpu.memory_space<semaphore_mem>>
        %dma_start3A = arith.constant 0 : i32
        %dma_start3A_37 = arith.constant 0 : i32
        %dma_start3A_38 = tpu.memref_slice %arg4[%dma_start3A, %dma_start3A_37] : memref<10240x16xf32, #tpu.memory_space<hbm>> -> memref<10240x16xf32, #tpu.memory_space<hbm>>
        tpu.enqueue_indirect_dma source(%dma_start3A_38 : memref<10240x16xf32, #tpu.memory_space<hbm>>) target(%arg8 : memref<80x16xf32, #tpu.memory_space<vmem>>) offsets(%arg11 : memref<80xi32, #tpu.memory_space<vmem>>) semaphore(%run_scoped3A : memref<!tpu.dma_semaphore, #tpu.memory_space<semaphore_mem>>)
        %dma_wait3A = arith.constant 0 : i32
        %dma_wait3A_39 = arith.constant 0 : i32
        %dma_wait3A_40 = tpu.memref_slice %arg4[%dma_wait3A, %dma_wait3A_39] : memref<10240x16xf32, #tpu.memory_space<hbm>> -> memref<10240x16xf32, #tpu.memory_space<hbm>>
        tpu.wait_indirect_dma semaphore(%run_scoped3A : memref<!tpu.dma_semaphore, #tpu.memory_space<semaphore_mem>>) src(%dma_wait3A_40 : memref<10240x16xf32, #tpu.memory_space<hbm>>) dst(%arg8 : memref<80x16xf32, #tpu.memory_space<vmem>>)
        tpu.yield
      }) : () -> ()
      %scan3A_32 = arith.constant 0 : i32
      %scan3A_33 = arith.constant 80 : i32
      %scan3A_34 = arith.addi %scan3A_32, %scan3A_33 : i32
      %scan3A_35 = arith.constant 1 : i32
      scf.for %scan3A_37 = %scan3A_32 to %scan3A_34 step %scan3A_35  : i32 {
        %mul3A_38 = arith.constant 1 : i32
        %mul3A_39 = arith.muli %scan3A_37, %mul3A_38 : i32
        %add3A_40 = arith.constant 0 : i32
        %add3A_41 = arith.addi %add3A_40, %mul3A_39 : i32
        %mul3A_42 = arith.constant 4 : i32
        %mul3A_43 = arith.muli %mul3A_42, %add3A_41 : i32
        %get3A = arith.index_cast %mul3A_43 : i32 to index
        %get3A_44 = tpu.vector_load %arg13[%get3A] {strides = array<i32>} : memref<336xf32, #tpu.memory_space<vmem>>, vector<16xf32>,
        %get3A_45 = arith.index_cast %add3A_41 : i32 to index
        %get3A_46 = arith.constant 0 : index
        %get3A_47 = tpu.vector_load %arg8[%get3A_45, %get3A_46] {strides = array<i32>} : memref<80x16xf32, #tpu.memory_space<vmem>>, vector<16xf32>,
        %sub3A = arith.subf %get3A_44, %get3A_47 : vector<16xf32>
        %exp3A = math.exp %sub3A : vector<16xf32>
        %jit3A = arith.constant 0.000000e+00 : f32
        %broadcast_in_dim3A = vector.broadcast %jit3A : f32 to vector<16xf32>
        %select_n3A = arith.select %lt3A_2, %exp3A, %broadcast_in_dim3A : vector<16xi1>, vector<16xf32>
        %eq3A = arith.constant 0 : i32
        %eq3A_48 = vector.broadcast %eq3A : i32 to vector<16xi32>
        %eq3A_49 = arith.cmpi eq, %iota3A, %eq3A_48 : vector<16xi32>
        %jit3A_50 = arith.constant 0.000000e+00 : f32
        %broadcast_in_dim3A_51 = vector.broadcast %jit3A_50 : f32 to vector<16xf32>
        %select_n3A_52 = arith.select %eq3A_49, %select_n3A, %broadcast_in_dim3A_51 : vector<16xi1>, vector<16xf32>
        %reduce_sum3A = arith.constant true
        %reduce_sum3A_53 = vector.broadcast %reduce_sum3A : i1 to vector<16xi1>
        %reduce_sum3A_54 = tpu.scan <sum>, %select_n3A_52 masked %reduce_sum3A_53 : vector<16xf32>, vector<16xi1> -> vector<16xf32>
        %reduce_sum3A_55 = vector.extract %reduce_sum3A_54[15] : f32 from vector<16xf32>
        %get3A_56 = arith.index_cast %add3A_41 : i32 to index
        %get3A_57 = arith.constant 0 : index
        %get3A_58 = tpu.vector_load %arg9[%get3A_56, %get3A_57] {strides = array<i32>} : memref<80x128xf32, #tpu.memory_space<vmem>>, vector<16xf32>,
        %mul3A_59 = vector.broadcast %reduce_sum3A_55 : f32 to vector<16xf32>
        %mul3A_60 = arith.mulf %get3A_58, %mul3A_59 : vector<16xf32>
        %swap3A = arith.index_cast %add3A_41 : i32 to index
        %swap3A_61 = arith.constant 0 : index
        %swap3A_62 = tpu.vector_load %arg10[%swap3A, %swap3A_61] {strides = array<i32>} : memref<80x144xf32, #tpu.memory_space<vmem>>, vector<16xf32>,
        tpu.vector_store %arg10[%swap3A, %swap3A_61], %mul3A_60 {strides = array<i32>} : memref<80x144xf32, #tpu.memory_space<vmem>>, vector<16xf32>,
        %get3A_63 = arith.index_cast %add3A_41 : i32 to index
        %get3A_64 = arith.constant 16 : index
        %get3A_65 = tpu.vector_load %arg9[%get3A_63, %get3A_64] {strides = array<i32>} : memref<80x128xf32, #tpu.memory_space<vmem>>, vector<16xf32>,
        %mul3A_66 = vector.broadcast %reduce_sum3A_55 : f32 to vector<16xf32>
        %mul3A_67 = arith.mulf %get3A_65, %mul3A_66 : vector<16xf32>
        %swap3A_68 = arith.index_cast %add3A_41 : i32 to index
        %swap3A_69 = arith.constant 16 : index
        %swap3A_70 = tpu.vector_load %arg10[%swap3A_68, %swap3A_69] {strides = array<i32>} : memref<80x144xf32, #tpu.memory_space<vmem>>, vector<16xf32>,
        tpu.vector_store %arg10[%swap3A_68, %swap3A_69], %mul3A_67 {strides = array<i32>} : memref<80x144xf32, #tpu.memory_space<vmem>>, vector<16xf32>,
        %eq3A_71 = arith.constant 1 : i32
        %eq3A_72 = vector.broadcast %eq3A_71 : i32 to vector<16xi32>
        %eq3A_73 = arith.cmpi eq, %iota3A, %eq3A_72 : vector<16xi32>
        %jit3A_74 = arith.constant 0.000000e+00 : f32
        %broadcast_in_dim3A_75 = vector.broadcast %jit3A_74 : f32 to vector<16xf32>
        %select_n3A_76 = arith.select %eq3A_73, %select_n3A, %broadcast_in_dim3A_75 : vector<16xi1>, vector<16xf32>
        %reduce_sum3A_77 = arith.constant true
        %reduce_sum3A_78 = vector.broadcast %reduce_sum3A_77 : i1 to vector<16xi1>
        %reduce_sum3A_79 = tpu.scan <sum>, %select_n3A_76 masked %reduce_sum3A_78 : vector<16xf32>, vector<16xi1> -> vector<16xf32>
        %reduce_sum3A_80 = vector.extract %reduce_sum3A_79[15] : f32 from vector<16xf32>
        %get3A_81 = arith.index_cast %add3A_41 : i32 to index
        %get3A_82 = arith.constant 32 : index
        %get3A_83 = tpu.vector_load %arg9[%get3A_81, %get3A_82] {strides = array<i32>} : memref<80x128xf32, #tpu.memory_space<vmem>>, vector<16xf32>,
        %mul3A_84 = vector.broadcast %reduce_sum3A_80 : f32 to vector<16xf32>
        %mul3A_85 = arith.mulf %get3A_83, %mul3A_84 : vector<16xf32>
        %swap3A_86 = arith.index_cast %add3A_41 : i32 to index
        %swap3A_87 = arith.constant 32 : index
        %swap3A_88 = tpu.vector_load %arg10[%swap3A_86, %swap3A_87] {strides = array<i32>} : memref<80x144xf32, #tpu.memory_space<vmem>>, vector<16xf32>,
        tpu.vector_store %arg10[%swap3A_86, %swap3A_87], %mul3A_85 {strides = array<i32>} : memref<80x144xf32, #tpu.memory_space<vmem>>, vector<16xf32>,
        %get3A_89 = arith.index_cast %add3A_41 : i32 to index
        %get3A_90 = arith.constant 48 : index
        %get3A_91 = tpu.vector_load %arg9[%get3A_89, %get3A_90] {strides = array<i32>} : memref<80x128xf32, #tpu.memory_space<vmem>>, vector<16xf32>,
        %mul3A_92 = vector.broadcast %reduce_sum3A_80 : f32 to vector<16xf32>
        %mul3A_93 = arith.mulf %get3A_91, %mul3A_92 : vector<16xf32>
        %swap3A_94 = arith.index_cast %add3A_41 : i32 to index
        %swap3A_95 = arith.constant 48 : index
        %swap3A_96 = tpu.vector_load %arg10[%swap3A_94, %swap3A_95] {strides = array<i32>} : memref<80x144xf32, #tpu.memory_space<vmem>>, vector<16xf32>,
        tpu.vector_store %arg10[%swap3A_94, %swap3A_95], %mul3A_93 {strides = array<i32>} : memref<80x144xf32, #tpu.memory_space<vmem>>, vector<16xf32>,
        %eq3A_97 = arith.constant 2 : i32
        %eq3A_98 = vector.broadcast %eq3A_97 : i32 to vector<16xi32>
        %eq3A_99 = arith.cmpi eq, %iota3A, %eq3A_98 : vector<16xi32>
        %jit3A_100 = arith.constant 0.000000e+00 : f32
        %broadcast_in_dim3A_101 = vector.broadcast %jit3A_100 : f32 to vector<16xf32>
        %select_n3A_102 = arith.select %eq3A_99, %select_n3A, %broadcast_in_dim3A_101 : vector<16xi1>, vector<16xf32>
        %reduce_sum3A_103 = arith.constant true
        %reduce_sum3A_104 = vector.broadcast %reduce_sum3A_103 : i1 to vector<16xi1>
        %reduce_sum3A_105 = tpu.scan <sum>, %select_n3A_102 masked %reduce_sum3A_104 : vector<16xf32>, vector<16xi1> -> vector<16xf32>
        %reduce_sum3A_106 = vector.extract %reduce_sum3A_105[15] : f32 from vector<16xf32>
        %get3A_107 = arith.index_cast %add3A_41 : i32 to index
        %get3A_108 = arith.constant 64 : index
        %get3A_109 = tpu.vector_load %arg9[%get3A_107, %get3A_108] {strides = array<i32>} : memref<80x128xf32, #tpu.memory_space<vmem>>, vector<16xf32>,
        %mul3A_110 = vector.broadcast %reduce_sum3A_106 : f32 to vector<16xf32>
        %mul3A_111 = arith.mulf %get3A_109, %mul3A_110 : vector<16xf32>
        %swap3A_112 = arith.index_cast %add3A_41 : i32 to index
        %swap3A_113 = arith.constant 64 : index
        %swap3A_114 = tpu.vector_load %arg10[%swap3A_112, %swap3A_113] {strides = array<i32>} : memref<80x144xf32, #tpu.memory_space<vmem>>, vector<16xf32>,
        tpu.vector_store %arg10[%swap3A_112, %swap3A_113], %mul3A_111 {strides = array<i32>} : memref<80x144xf32, #tpu.memory_space<vmem>>, vector<16xf32>,
        %get3A_115 = arith.index_cast %add3A_41 : i32 to index
        %get3A_116 = arith.constant 80 : index
        %get3A_117 = tpu.vector_load %arg9[%get3A_115, %get3A_116] {strides = array<i32>} : memref<80x128xf32, #tpu.memory_space<vmem>>, vector<16xf32>,
        %mul3A_118 = vector.broadcast %reduce_sum3A_106 : f32 to vector<16xf32>
        %mul3A_119 = arith.mulf %get3A_117, %mul3A_118 : vector<16xf32>
        %swap3A_120 = arith.index_cast %add3A_41 : i32 to index
        %swap3A_121 = arith.constant 80 : index
        %swap3A_122 = tpu.vector_load %arg10[%swap3A_120, %swap3A_121] {strides = array<i32>} : memref<80x144xf32, #tpu.memory_space<vmem>>, vector<16xf32>,
        tpu.vector_store %arg10[%swap3A_120, %swap3A_121], %mul3A_119 {strides = array<i32>} : memref<80x144xf32, #tpu.memory_space<vmem>>, vector<16xf32>,
        %eq3A_123 = arith.constant 3 : i32
        %eq3A_124 = vector.broadcast %eq3A_123 : i32 to vector<16xi32>
        %eq3A_125 = arith.cmpi eq, %iota3A, %eq3A_124 : vector<16xi32>
        %jit3A_126 = arith.constant 0.000000e+00 : f32
        %broadcast_in_dim3A_127 = vector.broadcast %jit3A_126 : f32 to vector<16xf32>
        %select_n3A_128 = arith.select %eq3A_125, %select_n3A, %broadcast_in_dim3A_127 : vector<16xi1>, vector<16xf32>
        %reduce_sum3A_129 = arith.constant true
        %reduce_sum3A_130 = vector.broadcast %reduce_sum3A_129 : i1 to vector<16xi1>
        %reduce_sum3A_131 = tpu.scan <sum>, %select_n3A_128 masked %reduce_sum3A_130 : vector<16xf32>, vector<16xi1> -> vector<16xf32>
        %reduce_sum3A_132 = vector.extract %reduce_sum3A_131[15] : f32 from vector<16xf32>
        %get3A_133 = arith.index_cast %add3A_41 : i32 to index
        %get3A_134 = arith.constant 96 : index
        %get3A_135 = tpu.vector_load %arg9[%get3A_133, %get3A_134] {strides = array<i32>} : memref<80x128xf32, #tpu.memory_space<vmem>>, vector<16xf32>,
        %mul3A_136 = vector.broadcast %reduce_sum3A_132 : f32 to vector<16xf32>
        %mul3A_137 = arith.mulf %get3A_135, %mul3A_136 : vector<16xf32>
        %swap3A_138 = arith.index_cast %add3A_41 : i32 to index
        %swap3A_139 = arith.constant 96 : index
        %swap3A_140 = tpu.vector_load %arg10[%swap3A_138, %swap3A_139] {strides = array<i32>} : memref<80x144xf32, #tpu.memory_space<vmem>>, vector<16xf32>,
        tpu.vector_store %arg10[%swap3A_138, %swap3A_139], %mul3A_137 {strides = array<i32>} : memref<80x144xf32, #tpu.memory_space<vmem>>, vector<16xf32>,
        %get3A_141 = arith.index_cast %add3A_41 : i32 to index
        %get3A_142 = arith.constant 112 : index
        %get3A_143 = tpu.vector_load %arg9[%get3A_141, %get3A_142] {strides = array<i32>} : memref<80x128xf32, #tpu.memory_space<vmem>>, vector<16xf32>,
        %mul3A_144 = vector.broadcast %reduce_sum3A_132 : f32 to vector<16xf32>
        %mul3A_145 = arith.mulf %get3A_143, %mul3A_144 : vector<16xf32>
        %swap3A_146 = arith.index_cast %add3A_41 : i32 to index
        %swap3A_147 = arith.constant 112 : index
        %swap3A_148 = tpu.vector_load %arg10[%swap3A_146, %swap3A_147] {strides = array<i32>} : memref<80x144xf32, #tpu.memory_space<vmem>>, vector<16xf32>,
        tpu.vector_store %arg10[%swap3A_146, %swap3A_147], %mul3A_145 {strides = array<i32>} : memref<80x144xf32, #tpu.memory_space<vmem>>, vector<16xf32>,
        %swap3A_149 = arith.index_cast %add3A_41 : i32 to index
        %swap3A_150 = arith.constant 128 : index
        %swap3A_151 = tpu.vector_load %arg10[%swap3A_149, %swap3A_150] {strides = array<i32>} : memref<80x144xf32, #tpu.memory_space<vmem>>, vector<16xf32>,
        tpu.vector_store %arg10[%swap3A_149, %swap3A_150], %select_n3A {strides = array<i32>} : memref<80x144xf32, #tpu.memory_space<vmem>>, vector<16xf32>,
      }
      %scan3A_36 = arith.constant 80 : i32
      "tpu.region"() ({
        %run_scoped3A = tpu.sem_alloc : memref<!tpu.dma_semaphore, #tpu.memory_space<semaphore_mem>>
        %dma_start3A = arith.constant 0 : i32
        %dma_start3A_37 = arith.constant 0 : i32
        %dma_start3A_38 = tpu.memref_slice %arg16[%dma_start3A, %dma_start3A_37] : memref<10240x144xf32, #tpu.memory_space<vmem_shared>> -> memref<10240x144xf32, #tpu.memory_space<vmem_shared>>
        tpu.enqueue_indirect_dma source(%arg10 : memref<80x144xf32, #tpu.memory_space<vmem>>) target(%dma_start3A_38 : memref<10240x144xf32, #tpu.memory_space<vmem_shared>>) offsets(%arg11 : memref<80xi32, #tpu.memory_space<vmem>>) semaphore(%run_scoped3A : memref<!tpu.dma_semaphore, #tpu.memory_space<semaphore_mem>>) {add = true}
        %dma_wait3A = arith.constant 0 : i32
        %dma_wait3A_39 = arith.constant 0 : i32
        %dma_wait3A_40 = tpu.memref_slice %arg16[%dma_wait3A, %dma_wait3A_39] : memref<10240x144xf32, #tpu.memory_space<vmem_shared>> -> memref<10240x144xf32, #tpu.memory_space<vmem_shared>>
        tpu.wait_indirect_dma semaphore(%run_scoped3A : memref<!tpu.dma_semaphore, #tpu.memory_space<semaphore_mem>>) src(%arg10 : memref<80x144xf32, #tpu.memory_space<vmem>>) dst(%dma_wait3A_40 : memref<10240x144xf32, #tpu.memory_space<vmem_shared>>)
        tpu.yield
      }) : () -> ()
    }
    %scan3A_16 = arith.constant 125 : i32
    %barrier3A_17 = arith.constant 0 : index
    tpu.barrier barrier_id(%barrier3A_17)
    %mul3A_18 = arith.constant 640 : i32
    %mul3A_19 = arith.muli %arg1, %mul3A_18 : i32
    "tpu.region"() ({
      %run_scoped3A = tpu.sem_alloc : memref<!tpu.dma_semaphore, #tpu.memory_space<semaphore_mem>>
      %dma_start3A = arith.constant 0 : i32
      %dma_start3A_20 = tpu.memref_slice %arg7[%arg0, %mul3A_19, %dma_start3A] : memref<2x10240x144xf32, #tpu.memory_space<hbm>> -> memref<1x640x144xf32, #tpu.memory_space<hbm>>
      %dma_start3A_21 = tpu.memref_squeeze %dma_start3A_20 : memref<1x640x144xf32, #tpu.memory_space<hbm>> -> memref<640x144xf32, #tpu.memory_space<hbm>>
      %dma_start3A_22 = arith.constant 0 : i32
      %dma_start3A_23 = tpu.memref_slice %arg16[%mul3A_19, %dma_start3A_22] : memref<10240x144xf32, #tpu.memory_space<vmem_shared>> -> memref<640x144xf32, #tpu.memory_space<vmem_shared>>
      tpu.enqueue_dma source(%dma_start3A_23 : memref<640x144xf32, #tpu.memory_space<vmem_shared>>) target(%dma_start3A_21 : memref<640x144xf32, #tpu.memory_space<hbm>>) target_semaphore(%run_scoped3A : memref<!tpu.dma_semaphore, #tpu.memory_space<semaphore_mem>>)
      %dma_wait3A = arith.constant 0 : i32
      %dma_wait3A_24 = tpu.memref_slice %arg7[%arg0, %mul3A_19, %dma_wait3A] : memref<2x10240x144xf32, #tpu.memory_space<hbm>> -> memref<1x640x144xf32, #tpu.memory_space<hbm>>
      %dma_wait3A_25 = tpu.memref_squeeze %dma_wait3A_24 : memref<1x640x144xf32, #tpu.memory_space<hbm>> -> memref<640x144xf32, #tpu.memory_space<hbm>>
      %dma_wait3A_26 = arith.constant 0 : i32
      %dma_wait3A_27 = tpu.memref_slice %arg16[%mul3A_19, %dma_wait3A_26] : memref<10240x144xf32, #tpu.memory_space<vmem_shared>> -> memref<640x144xf32, #tpu.memory_space<vmem_shared>>
      tpu.wait_dma2 semaphore(%run_scoped3A : memref<!tpu.dma_semaphore, #tpu.memory_space<semaphore_mem>>) src(%dma_wait3A_27 : memref<640x144xf32, #tpu.memory_space<vmem_shared>>) dst(%dma_wait3A_25 : memref<640x144xf32, #tpu.memory_space<hbm>>)
      tpu.yield
    }) : () -> ()
    return
  }
}

#map = affine_map<(d0, d1) -> (0, 0)>
#map1 = affine_map<(d0, d1) -> (0)>
module attributes {stable_mosaic.version = 14 : i64} {
  func.func @_pass1_body(%arg0: i32, %arg1: i32, %arg2: memref<10000x144xf32, #tpu.memory_space<hbm>>, %arg3: memref<10000x144xf32, #tpu.memory_space<hbm>>, %arg4: memref<320000xi32, #tpu.memory_space<hbm>>, %arg5: memref<320000xi32, #tpu.memory_space<hbm>>, %arg6: memref<1280000xf32, #tpu.memory_space<hbm>>, %arg7: memref<2x40960xf32, #tpu.memory_space<hbm>>, %arg8: memref<80x144xf32, #tpu.memory_space<vmem>>, %arg9: memref<80x144xf32, #tpu.memory_space<vmem>>, %arg10: memref<80xi32, #tpu.memory_space<vmem>>, %arg11: memref<80xi32, #tpu.memory_space<vmem>>, %arg12: memref<336xf32, #tpu.memory_space<vmem>>, %arg13: memref<256xf32, #tpu.memory_space<vmem>>, %arg14: memref<40960xf32, #tpu.memory_space<vmem>>, %arg15: memref<2560xf32, #tpu.memory_space<vmem>>, %arg16: memref<2560xf32, #tpu.memory_space<vmem>>, %arg17: memref<16x40960xf32, #tpu.memory_space<vmem_shared>>) attributes {dimension_semantics = [#tpu.dimension_semantics<core_parallel>, #tpu.dimension_semantics<subcore_parallel>], iteration_bounds = array<i64: 2, 16>, scalar_prefetch = 0 : i64, scratch_operands = 10 : i64, tpu.core_type = #tpu.core_type<sc_vector_subcore>, window_params = [{transform_indices = #map}, {transform_indices = #map}, {transform_indices = #map1}, {transform_indices = #map1}, {transform_indices = #map1}, {transform_indices = #map}]} {
    %mul3A = arith.constant 16 : i32
    %mul3A_0 = arith.muli %arg0, %mul3A : i32
    %add3A = arith.addi %mul3A_0, %arg1 : i32
    %iota3A = tpu.iota {dimensions = array<i32: 0>} : vector<16xi32>
    %lt3A = arith.constant 4 : i32
    %lt3A_1 = vector.broadcast %lt3A : i32 to vector<16xi32>
    %lt3A_2 = arith.cmpi slt, %iota3A, %lt3A_1 : vector<16xi32>
    %mul3A_3 = arith.constant 16 : i32
    %mul3A_4 = vector.broadcast %mul3A_3 : i32 to vector<16xi32>
    %mul3A_5 = arith.muli %iota3A, %mul3A_4 : vector<16xi32>
    %add3A_6 = arith.constant 15 : i32
    %add3A_7 = vector.broadcast %add3A_6 : i32 to vector<16xi32>
    %add3A_8 = arith.addi %mul3A_5, %add3A_7 : vector<16xi32>
    %scan3A = arith.constant 0 : i32
    %scan3A_9 = arith.constant 2560 : i32
    %scan3A_10 = arith.addi %scan3A, %scan3A_9 : i32
    %scan3A_11 = arith.constant 1 : i32
    scf.for %scan3A_27 = %scan3A to %scan3A_10 step %scan3A_11  : i32 {
      %mul3A_28 = arith.constant 1 : i32
      %mul3A_29 = arith.muli %scan3A_27, %mul3A_28 : i32
      %add3A_30 = arith.constant 0 : i32
      %add3A_31 = arith.addi %add3A_30, %mul3A_29 : i32
      %broadcast_in_dim3A = arith.constant -3.000000e+38 : f32
      %broadcast_in_dim3A_32 = vector.broadcast %broadcast_in_dim3A : f32 to vector<16xf32>
      %mul3A_33 = arith.constant 16 : i32
      %mul3A_34 = arith.muli %add3A_31, %mul3A_33 : i32
      %swap3A = arith.index_cast %mul3A_34 : i32 to index
      %swap3A_35 = tpu.vector_load %arg14[%swap3A] {strides = array<i32>} : memref<40960xf32, #tpu.memory_space<vmem>>, vector<16xf32>,
      tpu.vector_store %arg14[%swap3A], %broadcast_in_dim3A_32 {strides = array<i32>} : memref<40960xf32, #tpu.memory_space<vmem>>, vector<16xf32>,
    }
    %scan3A_12 = arith.constant 2560 : i32
    %scan3A_13 = arith.constant 0 : i32
    %scan3A_14 = arith.constant 125 : i32
    %scan3A_15 = arith.addi %scan3A_13, %scan3A_14 : i32
    %scan3A_16 = arith.constant 1 : i32
    scf.for %scan3A_27 = %scan3A_13 to %scan3A_15 step %scan3A_16  : i32 {
      %mul3A_28 = arith.constant 1 : i32
      %mul3A_29 = arith.muli %scan3A_27, %mul3A_28 : i32
      %add3A_30 = arith.constant 0 : i32
      %add3A_31 = arith.addi %add3A_30, %mul3A_29 : i32
      %mul3A_32 = arith.constant 10000 : i32
      %mul3A_33 = arith.muli %add3A, %mul3A_32 : i32
      %mul3A_34 = arith.constant 80 : i32
      %mul3A_35 = arith.muli %add3A_31, %mul3A_34 : i32
      %add3A_36 = arith.addi %mul3A_33, %mul3A_35 : i32
      "tpu.region"() ({
        %run_scoped3A_44 = tpu.sem_alloc : memref<!tpu.dma_semaphore, #tpu.memory_space<semaphore_mem>>
        %dma_start3A = tpu.memref_slice %arg4[%add3A_36] : memref<320000xi32, #tpu.memory_space<hbm>> -> memref<80xi32, #tpu.memory_space<hbm>>
        %dma_start3A_45 = tpu.memref_slice %arg4[%add3A_36] : memref<320000xi32, #tpu.memory_space<hbm>> -> memref<80xi32, #tpu.memory_space<hbm>>
        tpu.enqueue_dma source(%dma_start3A_45 : memref<80xi32, #tpu.memory_space<hbm>>) target(%arg10 : memref<80xi32, #tpu.memory_space<vmem>>) target_semaphore(%run_scoped3A_44 : memref<!tpu.dma_semaphore, #tpu.memory_space<semaphore_mem>>)
        %dma_wait3A = tpu.memref_slice %arg4[%add3A_36] : memref<320000xi32, #tpu.memory_space<hbm>> -> memref<80xi32, #tpu.memory_space<hbm>>
        %dma_wait3A_46 = tpu.memref_slice %arg4[%add3A_36] : memref<320000xi32, #tpu.memory_space<hbm>> -> memref<80xi32, #tpu.memory_space<hbm>>
        tpu.wait_dma2 semaphore(%run_scoped3A_44 : memref<!tpu.dma_semaphore, #tpu.memory_space<semaphore_mem>>) src(%dma_wait3A_46 : memref<80xi32, #tpu.memory_space<hbm>>) dst(%arg10 : memref<80xi32, #tpu.memory_space<vmem>>)
        tpu.yield
      }) : () -> ()
      "tpu.region"() ({
        %run_scoped3A_44 = tpu.sem_alloc : memref<!tpu.dma_semaphore, #tpu.memory_space<semaphore_mem>>
        %dma_start3A = tpu.memref_slice %arg5[%add3A_36] : memref<320000xi32, #tpu.memory_space<hbm>> -> memref<80xi32, #tpu.memory_space<hbm>>
        %dma_start3A_45 = tpu.memref_slice %arg5[%add3A_36] : memref<320000xi32, #tpu.memory_space<hbm>> -> memref<80xi32, #tpu.memory_space<hbm>>
        tpu.enqueue_dma source(%dma_start3A_45 : memref<80xi32, #tpu.memory_space<hbm>>) target(%arg11 : memref<80xi32, #tpu.memory_space<vmem>>) target_semaphore(%run_scoped3A_44 : memref<!tpu.dma_semaphore, #tpu.memory_space<semaphore_mem>>)
        %dma_wait3A = tpu.memref_slice %arg5[%add3A_36] : memref<320000xi32, #tpu.memory_space<hbm>> -> memref<80xi32, #tpu.memory_space<hbm>>
        %dma_wait3A_46 = tpu.memref_slice %arg5[%add3A_36] : memref<320000xi32, #tpu.memory_space<hbm>> -> memref<80xi32, #tpu.memory_space<hbm>>
        tpu.wait_dma2 semaphore(%run_scoped3A_44 : memref<!tpu.dma_semaphore, #tpu.memory_space<semaphore_mem>>) src(%dma_wait3A_46 : memref<80xi32, #tpu.memory_space<hbm>>) dst(%arg11 : memref<80xi32, #tpu.memory_space<vmem>>)
        tpu.yield
      }) : () -> ()
      "tpu.region"() ({
        %run_scoped3A_44 = tpu.sem_alloc : memref<!tpu.dma_semaphore, #tpu.memory_space<semaphore_mem>>
        %dma_start3A = arith.constant 0 : i32
        %dma_start3A_45 = arith.constant 0 : i32
        %dma_start3A_46 = tpu.memref_slice %arg2[%dma_start3A, %dma_start3A_45] : memref<10000x144xf32, #tpu.memory_space<hbm>> -> memref<10000x144xf32, #tpu.memory_space<hbm>>
        tpu.enqueue_indirect_dma source(%dma_start3A_46 : memref<10000x144xf32, #tpu.memory_space<hbm>>) target(%arg8 : memref<80x144xf32, #tpu.memory_space<vmem>>) offsets(%arg10 : memref<80xi32, #tpu.memory_space<vmem>>) semaphore(%run_scoped3A_44 : memref<!tpu.dma_semaphore, #tpu.memory_space<semaphore_mem>>)
        %dma_wait3A = arith.constant 0 : i32
        %dma_wait3A_47 = arith.constant 0 : i32
        %dma_wait3A_48 = tpu.memref_slice %arg2[%dma_wait3A, %dma_wait3A_47] : memref<10000x144xf32, #tpu.memory_space<hbm>> -> memref<10000x144xf32, #tpu.memory_space<hbm>>
        tpu.wait_indirect_dma semaphore(%run_scoped3A_44 : memref<!tpu.dma_semaphore, #tpu.memory_space<semaphore_mem>>) src(%dma_wait3A_48 : memref<10000x144xf32, #tpu.memory_space<hbm>>) dst(%arg8 : memref<80x144xf32, #tpu.memory_space<vmem>>)
        tpu.yield
      }) : () -> ()
      "tpu.region"() ({
        %run_scoped3A_44 = tpu.sem_alloc : memref<!tpu.dma_semaphore, #tpu.memory_space<semaphore_mem>>
        %dma_start3A = arith.constant 0 : i32
        %dma_start3A_45 = arith.constant 0 : i32
        %dma_start3A_46 = tpu.memref_slice %arg3[%dma_start3A, %dma_start3A_45] : memref<10000x144xf32, #tpu.memory_space<hbm>> -> memref<10000x144xf32, #tpu.memory_space<hbm>>
        tpu.enqueue_indirect_dma source(%dma_start3A_46 : memref<10000x144xf32, #tpu.memory_space<hbm>>) target(%arg9 : memref<80x144xf32, #tpu.memory_space<vmem>>) offsets(%arg11 : memref<80xi32, #tpu.memory_space<vmem>>) semaphore(%run_scoped3A_44 : memref<!tpu.dma_semaphore, #tpu.memory_space<semaphore_mem>>)
        %dma_wait3A = arith.constant 0 : i32
        %dma_wait3A_47 = arith.constant 0 : i32
        %dma_wait3A_48 = tpu.memref_slice %arg3[%dma_wait3A, %dma_wait3A_47] : memref<10000x144xf32, #tpu.memory_space<hbm>> -> memref<10000x144xf32, #tpu.memory_space<hbm>>
        tpu.wait_indirect_dma semaphore(%run_scoped3A_44 : memref<!tpu.dma_semaphore, #tpu.memory_space<semaphore_mem>>) src(%dma_wait3A_48 : memref<10000x144xf32, #tpu.memory_space<hbm>>) dst(%arg9 : memref<80x144xf32, #tpu.memory_space<vmem>>)
        tpu.yield
      }) : () -> ()
      %scan3A_37 = arith.constant 0 : i32
      %scan3A_38 = arith.constant 80 : i32
      %scan3A_39 = arith.addi %scan3A_37, %scan3A_38 : i32
      %scan3A_40 = arith.constant 1 : i32
      scf.for %scan3A_44 = %scan3A_37 to %scan3A_39 step %scan3A_40  : i32 {
        %mul3A_45 = arith.constant 1 : i32
        %mul3A_46 = arith.muli %scan3A_44, %mul3A_45 : i32
        %add3A_47 = arith.constant 0 : i32
        %add3A_48 = arith.addi %add3A_47, %mul3A_46 : i32
        %get3A = arith.index_cast %add3A_48 : i32 to index
        %get3A_49 = arith.constant 0 : index
        %get3A_50 = tpu.vector_load %arg8[%get3A, %get3A_49] {strides = array<i32>} : memref<80x144xf32, #tpu.memory_space<vmem>>, vector<16xf32>,
        %get3A_51 = arith.index_cast %add3A_48 : i32 to index
        %get3A_52 = arith.constant 16 : index
        %get3A_53 = tpu.vector_load %arg8[%get3A_51, %get3A_52] {strides = array<i32>} : memref<80x144xf32, #tpu.memory_space<vmem>>, vector<16xf32>,
        %get3A_54 = arith.index_cast %add3A_48 : i32 to index
        %get3A_55 = arith.constant 0 : index
        %get3A_56 = tpu.vector_load %arg9[%get3A_54, %get3A_55] {strides = array<i32>} : memref<80x144xf32, #tpu.memory_space<vmem>>, vector<16xf32>,
        %get3A_57 = arith.index_cast %add3A_48 : i32 to index
        %get3A_58 = arith.constant 16 : index
        %get3A_59 = tpu.vector_load %arg9[%get3A_57, %get3A_58] {strides = array<i32>} : memref<80x144xf32, #tpu.memory_space<vmem>>, vector<16xf32>,
        %mul3A_60 = arith.mulf %get3A_50, %get3A_56 : vector<16xf32>
        %mul3A_61 = arith.mulf %get3A_53, %get3A_59 : vector<16xf32>
        %add3A_62 = arith.addf %mul3A_60, %mul3A_61 : vector<16xf32>
        %broadcast_in_dim3A = arith.constant true
        %broadcast_in_dim3A_63 = vector.broadcast %broadcast_in_dim3A : i1 to vector<16xi1>
        %masked_cumsum3A = tpu.scan <sum>, %add3A_62 masked %broadcast_in_dim3A_63 : vector<16xf32>, vector<16xi1> -> vector<16xf32>
        %swap3A = arith.constant 0 : index
        %swap3A_64 = tpu.vector_load %arg13[%swap3A] {strides = array<i32>} : memref<256xf32, #tpu.memory_space<vmem>>, vector<16xf32>,
        tpu.vector_store %arg13[%swap3A], %masked_cumsum3A {strides = array<i32>} : memref<256xf32, #tpu.memory_space<vmem>>, vector<16xf32>,
        %get3A_65 = arith.index_cast %add3A_48 : i32 to index
        %get3A_66 = arith.constant 32 : index
        %get3A_67 = tpu.vector_load %arg8[%get3A_65, %get3A_66] {strides = array<i32>} : memref<80x144xf32, #tpu.memory_space<vmem>>, vector<16xf32>,
        %get3A_68 = arith.index_cast %add3A_48 : i32 to index
        %get3A_69 = arith.constant 48 : index
        %get3A_70 = tpu.vector_load %arg8[%get3A_68, %get3A_69] {strides = array<i32>} : memref<80x144xf32, #tpu.memory_space<vmem>>, vector<16xf32>,
        %get3A_71 = arith.index_cast %add3A_48 : i32 to index
        %get3A_72 = arith.constant 32 : index
        %get3A_73 = tpu.vector_load %arg9[%get3A_71, %get3A_72] {strides = array<i32>} : memref<80x144xf32, #tpu.memory_space<vmem>>, vector<16xf32>,
        %get3A_74 = arith.index_cast %add3A_48 : i32 to index
        %get3A_75 = arith.constant 48 : index
        %get3A_76 = tpu.vector_load %arg9[%get3A_74, %get3A_75] {strides = array<i32>} : memref<80x144xf32, #tpu.memory_space<vmem>>, vector<16xf32>,
        %mul3A_77 = arith.mulf %get3A_67, %get3A_73 : vector<16xf32>
        %mul3A_78 = arith.mulf %get3A_70, %get3A_76 : vector<16xf32>
        %add3A_79 = arith.addf %mul3A_77, %mul3A_78 : vector<16xf32>
        %broadcast_in_dim3A_80 = arith.constant true
        %broadcast_in_dim3A_81 = vector.broadcast %broadcast_in_dim3A_80 : i1 to vector<16xi1>
        %masked_cumsum3A_82 = tpu.scan <sum>, %add3A_79 masked %broadcast_in_dim3A_81 : vector<16xf32>, vector<16xi1> -> vector<16xf32>
        %swap3A_83 = arith.constant 16 : index
        %swap3A_84 = tpu.vector_load %arg13[%swap3A_83] {strides = array<i32>} : memref<256xf32, #tpu.memory_space<vmem>>, vector<16xf32>,
        tpu.vector_store %arg13[%swap3A_83], %masked_cumsum3A_82 {strides = array<i32>} : memref<256xf32, #tpu.memory_space<vmem>>, vector<16xf32>,
        %get3A_85 = arith.index_cast %add3A_48 : i32 to index
        %get3A_86 = arith.constant 64 : index
        %get3A_87 = tpu.vector_load %arg8[%get3A_85, %get3A_86] {strides = array<i32>} : memref<80x144xf32, #tpu.memory_space<vmem>>, vector<16xf32>,
        %get3A_88 = arith.index_cast %add3A_48 : i32 to index
        %get3A_89 = arith.constant 80 : index
        %get3A_90 = tpu.vector_load %arg8[%get3A_88, %get3A_89] {strides = array<i32>} : memref<80x144xf32, #tpu.memory_space<vmem>>, vector<16xf32>,
        %get3A_91 = arith.index_cast %add3A_48 : i32 to index
        %get3A_92 = arith.constant 64 : index
        %get3A_93 = tpu.vector_load %arg9[%get3A_91, %get3A_92] {strides = array<i32>} : memref<80x144xf32, #tpu.memory_space<vmem>>, vector<16xf32>,
        %get3A_94 = arith.index_cast %add3A_48 : i32 to index
        %get3A_95 = arith.constant 80 : index
        %get3A_96 = tpu.vector_load %arg9[%get3A_94, %get3A_95] {strides = array<i32>} : memref<80x144xf32, #tpu.memory_space<vmem>>, vector<16xf32>,
        %mul3A_97 = arith.mulf %get3A_87, %get3A_93 : vector<16xf32>
        %mul3A_98 = arith.mulf %get3A_90, %get3A_96 : vector<16xf32>
        %add3A_99 = arith.addf %mul3A_97, %mul3A_98 : vector<16xf32>
        %broadcast_in_dim3A_100 = arith.constant true
        %broadcast_in_dim3A_101 = vector.broadcast %broadcast_in_dim3A_100 : i1 to vector<16xi1>
        %masked_cumsum3A_102 = tpu.scan <sum>, %add3A_99 masked %broadcast_in_dim3A_101 : vector<16xf32>, vector<16xi1> -> vector<16xf32>
        %swap3A_103 = arith.constant 32 : index
        %swap3A_104 = tpu.vector_load %arg13[%swap3A_103] {strides = array<i32>} : memref<256xf32, #tpu.memory_space<vmem>>, vector<16xf32>,
        tpu.vector_store %arg13[%swap3A_103], %masked_cumsum3A_102 {strides = array<i32>} : memref<256xf32, #tpu.memory_space<vmem>>, vector<16xf32>,
        %get3A_105 = arith.index_cast %add3A_48 : i32 to index
        %get3A_106 = arith.constant 96 : index
        %get3A_107 = tpu.vector_load %arg8[%get3A_105, %get3A_106] {strides = array<i32>} : memref<80x144xf32, #tpu.memory_space<vmem>>, vector<16xf32>,
        %get3A_108 = arith.index_cast %add3A_48 : i32 to index
        %get3A_109 = arith.constant 112 : index
        %get3A_110 = tpu.vector_load %arg8[%get3A_108, %get3A_109] {strides = array<i32>} : memref<80x144xf32, #tpu.memory_space<vmem>>, vector<16xf32>,
        %get3A_111 = arith.index_cast %add3A_48 : i32 to index
        %get3A_112 = arith.constant 96 : index
        %get3A_113 = tpu.vector_load %arg9[%get3A_111, %get3A_112] {strides = array<i32>} : memref<80x144xf32, #tpu.memory_space<vmem>>, vector<16xf32>,
        %get3A_114 = arith.index_cast %add3A_48 : i32 to index
        %get3A_115 = arith.constant 112 : index
        %get3A_116 = tpu.vector_load %arg9[%get3A_114, %get3A_115] {strides = array<i32>} : memref<80x144xf32, #tpu.memory_space<vmem>>, vector<16xf32>,
        %mul3A_117 = arith.mulf %get3A_107, %get3A_113 : vector<16xf32>
        %mul3A_118 = arith.mulf %get3A_110, %get3A_116 : vector<16xf32>
        %add3A_119 = arith.addf %mul3A_117, %mul3A_118 : vector<16xf32>
        %broadcast_in_dim3A_120 = arith.constant true
        %broadcast_in_dim3A_121 = vector.broadcast %broadcast_in_dim3A_120 : i1 to vector<16xi1>
        %masked_cumsum3A_122 = tpu.scan <sum>, %add3A_119 masked %broadcast_in_dim3A_121 : vector<16xf32>, vector<16xi1> -> vector<16xf32>
        %swap3A_123 = arith.constant 48 : index
        %swap3A_124 = tpu.vector_load %arg13[%swap3A_123] {strides = array<i32>} : memref<256xf32, #tpu.memory_space<vmem>>, vector<16xf32>,
        tpu.vector_store %arg13[%swap3A_123], %masked_cumsum3A_122 {strides = array<i32>} : memref<256xf32, #tpu.memory_space<vmem>>, vector<16xf32>,
        %gather3A = tpu.vector_load_idx %arg13[%add3A_8] : memref<256xf32, #tpu.memory_space<vmem>>[vector<16xi32>], vector<16xf32>,
        %get3A_125 = arith.index_cast %add3A_48 : i32 to index
        %get3A_126 = arith.constant 128 : index
        %get3A_127 = tpu.vector_load %arg8[%get3A_125, %get3A_126] {strides = array<i32>} : memref<80x144xf32, #tpu.memory_space<vmem>>, vector<16xf32>,
        %get3A_128 = arith.index_cast %add3A_48 : i32 to index
        %get3A_129 = arith.constant 128 : index
        %get3A_130 = tpu.vector_load %arg9[%get3A_128, %get3A_129] {strides = array<i32>} : memref<80x144xf32, #tpu.memory_space<vmem>>, vector<16xf32>,
        %add3A_131 = arith.addf %get3A_127, %get3A_130 : vector<16xf32>
        %add3A_132 = arith.addf %add3A_131, %gather3A : vector<16xf32>
        %gt3A = arith.constant 0.000000e+00 : f32
        %gt3A_133 = vector.broadcast %gt3A : f32 to vector<16xf32>
        %gt3A_134 = arith.cmpf ogt, %add3A_132, %gt3A_133 : vector<16xf32>
        %mul3A_135 = arith.constant 2.000000e-01 : f32
        %mul3A_136 = vector.broadcast %mul3A_135 : f32 to vector<16xf32>
        %mul3A_137 = arith.mulf %mul3A_136, %add3A_132 : vector<16xf32>
        %select_n3A = arith.select %gt3A_134, %add3A_132, %mul3A_137 : vector<16xi1>, vector<16xf32>
        %mul3A_138 = arith.constant 4 : i32
        %mul3A_139 = arith.muli %mul3A_138, %add3A_48 : i32
        %add3A_140 = vector.broadcast %mul3A_139 : i32 to vector<16xi32>
        %add3A_141 = arith.addi %add3A_140, %iota3A : vector<16xi32>
        tpu.vector_store_idx %arg12[%add3A_141], %select_n3A masked %lt3A_2 : memref<336xf32, #tpu.memory_space<vmem>>[vector<16xi32>], vector<16xf32>, vector<16xi1>
        %broadcast_in_dim3A_142 = vector.broadcast %add3A_48 : i32 to vector<16xi32>
        %gather3A_143 = tpu.vector_load_idx %arg10[%broadcast_in_dim3A_142] : memref<80xi32, #tpu.memory_space<vmem>>[vector<16xi32>], vector<16xi32>,
        %mul3A_144 = arith.constant 4 : i32
        %mul3A_145 = vector.broadcast %mul3A_144 : i32 to vector<16xi32>
        %mul3A_146 = arith.muli %gather3A_143, %mul3A_145 : vector<16xi32>
        %add3A_147 = arith.addi %mul3A_146, %iota3A : vector<16xi32>
        %gather3A_148 = tpu.vector_load_idx %arg14[%add3A_147] masked %lt3A_2 : memref<40960xf32, #tpu.memory_space<vmem>>[vector<16xi32>], vector<16xf32>, vector<16xi1>
        %max3A = arith.maximumf %gather3A_148, %select_n3A : vector<16xf32>
        tpu.vector_store_idx %arg14[%add3A_147], %max3A masked %lt3A_2 : memref<40960xf32, #tpu.memory_space<vmem>>[vector<16xi32>], vector<16xf32>, vector<16xi1>
      }
      %scan3A_41 = arith.constant 80 : i32
      %mul3A_42 = arith.constant 4 : i32
      %mul3A_43 = arith.muli %add3A_36, %mul3A_42 : i32
      "tpu.region"() ({
        %run_scoped3A_44 = tpu.sem_alloc : memref<!tpu.dma_semaphore, #tpu.memory_space<semaphore_mem>>
        %dma_start3A = arith.constant 0 : i32
        %dma_start3A_45 = tpu.memref_slice %arg12[%dma_start3A] : memref<336xf32, #tpu.memory_space<vmem>> -> memref<320xf32, #tpu.memory_space<vmem>>
        %dma_start3A_46 = tpu.memref_slice %arg6[%mul3A_43] : memref<1280000xf32, #tpu.memory_space<hbm>> -> memref<320xf32, #tpu.memory_space<hbm>>
        %dma_start3A_47 = tpu.memref_slice %arg6[%mul3A_43] : memref<1280000xf32, #tpu.memory_space<hbm>> -> memref<320xf32, #tpu.memory_space<hbm>>
        %dma_start3A_48 = arith.constant 0 : i32
        %dma_start3A_49 = tpu.memref_slice %arg12[%dma_start3A_48] : memref<336xf32, #tpu.memory_space<vmem>> -> memref<320xf32, #tpu.memory_space<vmem>>
        tpu.enqueue_dma source(%dma_start3A_49 : memref<320xf32, #tpu.memory_space<vmem>>) target(%dma_start3A_47 : memref<320xf32, #tpu.memory_space<hbm>>) target_semaphore(%run_scoped3A_44 : memref<!tpu.dma_semaphore, #tpu.memory_space<semaphore_mem>>)
        %dma_wait3A = arith.constant 0 : i32
        %dma_wait3A_50 = tpu.memref_slice %arg12[%dma_wait3A] : memref<336xf32, #tpu.memory_space<vmem>> -> memref<320xf32, #tpu.memory_space<vmem>>
        %dma_wait3A_51 = tpu.memref_slice %arg6[%mul3A_43] : memref<1280000xf32, #tpu.memory_space<hbm>> -> memref<320xf32, #tpu.memory_space<hbm>>
        %dma_wait3A_52 = tpu.memref_slice %arg6[%mul3A_43] : memref<1280000xf32, #tpu.memory_space<hbm>> -> memref<320xf32, #tpu.memory_space<hbm>>
        %dma_wait3A_53 = arith.constant 0 : i32
        %dma_wait3A_54 = tpu.memref_slice %arg12[%dma_wait3A_53] : memref<336xf32, #tpu.memory_space<vmem>> -> memref<320xf32, #tpu.memory_space<vmem>>
        tpu.wait_dma2 semaphore(%run_scoped3A_44 : memref<!tpu.dma_semaphore, #tpu.memory_space<semaphore_mem>>) src(%dma_wait3A_54 : memref<320xf32, #tpu.memory_space<vmem>>) dst(%dma_wait3A_52 : memref<320xf32, #tpu.memory_space<hbm>>)
        tpu.yield
      }) : () -> ()
    }
    %scan3A_17 = arith.constant 125 : i32
    "tpu.region"() ({
      %run_scoped3A_27 = tpu.sem_alloc : memref<!tpu.dma_semaphore, #tpu.memory_space<semaphore_mem>>
      %dma_start3A = arith.constant 0 : i32
      %dma_start3A_28 = tpu.memref_slice %arg17[%arg1, %dma_start3A] : memref<16x40960xf32, #tpu.memory_space<vmem_shared>> -> memref<1x40960xf32, #tpu.memory_space<vmem_shared>>
      %dma_start3A_29 = tpu.memref_squeeze %dma_start3A_28 : memref<1x40960xf32, #tpu.memory_space<vmem_shared>> -> memref<40960xf32, #tpu.memory_space<vmem_shared>>
      %dma_start3A_30 = arith.constant 0 : i32
      %dma_start3A_31 = tpu.memref_slice %arg17[%arg1, %dma_start3A_30] : memref<16x40960xf32, #tpu.memory_space<vmem_shared>> -> memref<1x40960xf32, #tpu.memory_space<vmem_shared>>
      %dma_start3A_32 = tpu.memref_squeeze %dma_start3A_31 : memref<1x40960xf32, #tpu.memory_space<vmem_shared>> -> memref<40960xf32, #tpu.memory_space<vmem_shared>>
      tpu.enqueue_dma source(%arg14 : memref<40960xf32, #tpu.memory_space<vmem>>) target(%dma_start3A_32 : memref<40960xf32, #tpu.memory_space<vmem_shared>>) target_semaphore(%run_scoped3A_27 : memref<!tpu.dma_semaphore, #tpu.memory_space<semaphore_mem>>)
      %dma_wait3A = arith.constant 0 : i32
      %dma_wait3A_33 = tpu.memref_slice %arg17[%arg1, %dma_wait3A] : memref<16x40960xf32, #tpu.memory_space<vmem_shared>> -> memref<1x40960xf32, #tpu.memory_space<vmem_shared>>
      %dma_wait3A_34 = tpu.memref_squeeze %dma_wait3A_33 : memref<1x40960xf32, #tpu.memory_space<vmem_shared>> -> memref<40960xf32, #tpu.memory_space<vmem_shared>>
      %dma_wait3A_35 = arith.constant 0 : i32
      %dma_wait3A_36 = tpu.memref_slice %arg17[%arg1, %dma_wait3A_35] : memref<16x40960xf32, #tpu.memory_space<vmem_shared>> -> memref<1x40960xf32, #tpu.memory_space<vmem_shared>>
      %dma_wait3A_37 = tpu.memref_squeeze %dma_wait3A_36 : memref<1x40960xf32, #tpu.memory_space<vmem_shared>> -> memref<40960xf32, #tpu.memory_space<vmem_shared>>
      tpu.wait_dma2 semaphore(%run_scoped3A_27 : memref<!tpu.dma_semaphore, #tpu.memory_space<semaphore_mem>>) src(%arg14 : memref<40960xf32, #tpu.memory_space<vmem>>) dst(%dma_wait3A_37 : memref<40960xf32, #tpu.memory_space<vmem_shared>>)
      tpu.yield
    }) : () -> ()
    %barrier3A = arith.constant 0 : index
    tpu.barrier barrier_id(%barrier3A)
    %mul3A_18 = arith.constant 2560 : i32
    %mul3A_19 = arith.muli %arg1, %mul3A_18 : i32
    %run_scoped3A = arith.constant 0 : i32
    "tpu.region"() ({
      %run_scoped3A_27 = tpu.sem_alloc : memref<!tpu.dma_semaphore, #tpu.memory_space<semaphore_mem>>
      %dma_start3A = tpu.memref_slice %arg17[%run_scoped3A, %mul3A_19] : memref<16x40960xf32, #tpu.memory_space<vmem_shared>> -> memref<1x2560xf32, #tpu.memory_space<vmem_shared>>
      %dma_start3A_28 = tpu.memref_squeeze %dma_start3A : memref<1x2560xf32, #tpu.memory_space<vmem_shared>> -> memref<2560xf32, #tpu.memory_space<vmem_shared>>
      %dma_start3A_29 = tpu.memref_slice %arg17[%run_scoped3A, %mul3A_19] : memref<16x40960xf32, #tpu.memory_space<vmem_shared>> -> memref<1x2560xf32, #tpu.memory_space<vmem_shared>>
      %dma_start3A_30 = tpu.memref_squeeze %dma_start3A_29 : memref<1x2560xf32, #tpu.memory_space<vmem_shared>> -> memref<2560xf32, #tpu.memory_space<vmem_shared>>
      tpu.enqueue_dma source(%dma_start3A_30 : memref<2560xf32, #tpu.memory_space<vmem_shared>>) target(%arg15 : memref<2560xf32, #tpu.memory_space<vmem>>) target_semaphore(%run_scoped3A_27 : memref<!tpu.dma_semaphore, #tpu.memory_space<semaphore_mem>>)
      %dma_wait3A = tpu.memref_slice %arg17[%run_scoped3A, %mul3A_19] : memref<16x40960xf32, #tpu.memory_space<vmem_shared>> -> memref<1x2560xf32, #tpu.memory_space<vmem_shared>>
      %dma_wait3A_31 = tpu.memref_squeeze %dma_wait3A : memref<1x2560xf32, #tpu.memory_space<vmem_shared>> -> memref<2560xf32, #tpu.memory_space<vmem_shared>>
      %dma_wait3A_32 = tpu.memref_slice %arg17[%run_scoped3A, %mul3A_19] : memref<16x40960xf32, #tpu.memory_space<vmem_shared>> -> memref<1x2560xf32, #tpu.memory_space<vmem_shared>>
      %dma_wait3A_33 = tpu.memref_squeeze %dma_wait3A_32 : memref<1x2560xf32, #tpu.memory_space<vmem_shared>> -> memref<2560xf32, #tpu.memory_space<vmem_shared>>
      tpu.wait_dma2 semaphore(%run_scoped3A_27 : memref<!tpu.dma_semaphore, #tpu.memory_space<semaphore_mem>>) src(%dma_wait3A_33 : memref<2560xf32, #tpu.memory_space<vmem_shared>>) dst(%arg15 : memref<2560xf32, #tpu.memory_space<vmem>>)
      tpu.yield
    }) : () -> ()
    %scan3A_20 = arith.constant 0 : i32
    %scan3A_21 = arith.constant 15 : i32
    %scan3A_22 = arith.addi %scan3A_20, %scan3A_21 : i32
    %scan3A_23 = arith.constant 1 : i32
    scf.for %scan3A_27 = %scan3A_20 to %scan3A_22 step %scan3A_23  : i32 {
      %mul3A_28 = arith.constant 1 : i32
      %mul3A_29 = arith.muli %scan3A_27, %mul3A_28 : i32
      %add3A_30 = arith.constant 1 : i32
      %add3A_31 = arith.addi %add3A_30, %mul3A_29 : i32
      "tpu.region"() ({
        %run_scoped3A_37 = tpu.sem_alloc : memref<!tpu.dma_semaphore, #tpu.memory_space<semaphore_mem>>
        %dma_start3A = tpu.memref_slice %arg17[%add3A_31, %mul3A_19] : memref<16x40960xf32, #tpu.memory_space<vmem_shared>> -> memref<1x2560xf32, #tpu.memory_space<vmem_shared>>
        %dma_start3A_38 = tpu.memref_squeeze %dma_start3A : memref<1x2560xf32, #tpu.memory_space<vmem_shared>> -> memref<2560xf32, #tpu.memory_space<vmem_shared>>
        %dma_start3A_39 = tpu.memref_slice %arg17[%add3A_31, %mul3A_19] : memref<16x40960xf32, #tpu.memory_space<vmem_shared>> -> memref<1x2560xf32, #tpu.memory_space<vmem_shared>>
        %dma_start3A_40 = tpu.memref_squeeze %dma_start3A_39 : memref<1x2560xf32, #tpu.memory_space<vmem_shared>> -> memref<2560xf32, #tpu.memory_space<vmem_shared>>
        tpu.enqueue_dma source(%dma_start3A_40 : memref<2560xf32, #tpu.memory_space<vmem_shared>>) target(%arg16 : memref<2560xf32, #tpu.memory_space<vmem>>) target_semaphore(%run_scoped3A_37 : memref<!tpu.dma_semaphore, #tpu.memory_space<semaphore_mem>>)
        %dma_wait3A = tpu.memref_slice %arg17[%add3A_31, %mul3A_19] : memref<16x40960xf32, #tpu.memory_space<vmem_shared>> -> memref<1x2560xf32, #tpu.memory_space<vmem_shared>>
        %dma_wait3A_41 = tpu.memref_squeeze %dma_wait3A : memref<1x2560xf32, #tpu.memory_space<vmem_shared>> -> memref<2560xf32, #tpu.memory_space<vmem_shared>>
        %dma_wait3A_42 = tpu.memref_slice %arg17[%add3A_31, %mul3A_19] : memref<16x40960xf32, #tpu.memory_space<vmem_shared>> -> memref<1x2560xf32, #tpu.memory_space<vmem_shared>>
        %dma_wait3A_43 = tpu.memref_squeeze %dma_wait3A_42 : memref<1x2560xf32, #tpu.memory_space<vmem_shared>> -> memref<2560xf32, #tpu.memory_space<vmem_shared>>
        tpu.wait_dma2 semaphore(%run_scoped3A_37 : memref<!tpu.dma_semaphore, #tpu.memory_space<semaphore_mem>>) src(%dma_wait3A_43 : memref<2560xf32, #tpu.memory_space<vmem_shared>>) dst(%arg16 : memref<2560xf32, #tpu.memory_space<vmem>>)
        tpu.yield
      }) : () -> ()
      %scan3A_32 = arith.constant 0 : i32
      %scan3A_33 = arith.constant 160 : i32
      %scan3A_34 = arith.addi %scan3A_32, %scan3A_33 : i32
      %scan3A_35 = arith.constant 1 : i32
      scf.for %scan3A_37 = %scan3A_32 to %scan3A_34 step %scan3A_35  : i32 {
        %mul3A_38 = arith.constant 1 : i32
        %mul3A_39 = arith.muli %scan3A_37, %mul3A_38 : i32
        %add3A_40 = arith.constant 0 : i32
        %add3A_41 = arith.addi %add3A_40, %mul3A_39 : i32
        %mul3A_42 = arith.constant 16 : i32
        %mul3A_43 = arith.muli %add3A_41, %mul3A_42 : i32
        %get3A = arith.index_cast %mul3A_43 : i32 to index
        %get3A_44 = tpu.vector_load %arg15[%get3A] {strides = array<i32>} : memref<2560xf32, #tpu.memory_space<vmem>>, vector<16xf32>,
        %get3A_45 = arith.index_cast %mul3A_43 : i32 to index
        %get3A_46 = tpu.vector_load %arg16[%get3A_45] {strides = array<i32>} : memref<2560xf32, #tpu.memory_space<vmem>>, vector<16xf32>,
        %max3A = arith.maximumf %get3A_44, %get3A_46 : vector<16xf32>
        %swap3A = arith.index_cast %mul3A_43 : i32 to index
        %swap3A_47 = tpu.vector_load %arg15[%swap3A] {strides = array<i32>} : memref<2560xf32, #tpu.memory_space<vmem>>, vector<16xf32>,
        tpu.vector_store %arg15[%swap3A], %max3A {strides = array<i32>} : memref<2560xf32, #tpu.memory_space<vmem>>, vector<16xf32>,
      }
      %scan3A_36 = arith.constant 160 : i32
    }
    %scan3A_24 = arith.constant 15 : i32
    %mul3A_25 = arith.constant 2560 : i32
    %mul3A_26 = arith.muli %arg1, %mul3A_25 : i32
    "tpu.region"() ({
      %run_scoped3A_27 = tpu.sem_alloc : memref<!tpu.dma_semaphore, #tpu.memory_space<semaphore_mem>>
      %dma_start3A = tpu.memref_slice %arg7[%arg0, %mul3A_26] : memref<2x40960xf32, #tpu.memory_space<hbm>> -> memref<1x2560xf32, #tpu.memory_space<hbm>>
      %dma_start3A_28 = tpu.memref_squeeze %dma_start3A : memref<1x2560xf32, #tpu.memory_space<hbm>> -> memref<2560xf32, #tpu.memory_space<hbm>>
      %dma_start3A_29 = tpu.memref_slice %arg7[%arg0, %mul3A_26] : memref<2x40960xf32, #tpu.memory_space<hbm>> -> memref<1x2560xf32, #tpu.memory_space<hbm>>
      %dma_start3A_30 = tpu.memref_squeeze %dma_start3A_29 : memref<1x2560xf32, #tpu.memory_space<hbm>> -> memref<2560xf32, #tpu.memory_space<hbm>>
      tpu.enqueue_dma source(%arg15 : memref<2560xf32, #tpu.memory_space<vmem>>) target(%dma_start3A_30 : memref<2560xf32, #tpu.memory_space<hbm>>) target_semaphore(%run_scoped3A_27 : memref<!tpu.dma_semaphore, #tpu.memory_space<semaphore_mem>>)
      %dma_wait3A = tpu.memref_slice %arg7[%arg0, %mul3A_26] : memref<2x40960xf32, #tpu.memory_space<hbm>> -> memref<1x2560xf32, #tpu.memory_space<hbm>>
      %dma_wait3A_31 = tpu.memref_squeeze %dma_wait3A : memref<1x2560xf32, #tpu.memory_space<hbm>> -> memref<2560xf32, #tpu.memory_space<hbm>>
      %dma_wait3A_32 = tpu.memref_slice %arg7[%arg0, %mul3A_26] : memref<2x40960xf32, #tpu.memory_space<hbm>> -> memref<1x2560xf32, #tpu.memory_space<hbm>>
      %dma_wait3A_33 = tpu.memref_squeeze %dma_wait3A_32 : memref<1x2560xf32, #tpu.memory_space<hbm>> -> memref<2560xf32, #tpu.memory_space<hbm>>
      tpu.wait_dma2 semaphore(%run_scoped3A_27 : memref<!tpu.dma_semaphore, #tpu.memory_space<semaphore_mem>>) src(%arg15 : memref<2560xf32, #tpu.memory_space<vmem>>) dst(%dma_wait3A_33 : memref<2560xf32, #tpu.memory_space<hbm>>)
      tpu.yield
    }) : () -> ()
    return
  }
}

module attributes {stable_mosaic.version = 14 : i64} {
  func.func @_dense_body(%arg0: i32, %arg1: memref<1000x128xf32, #tpu.memory_space<vmem>>, %arg2: memref<128x128xf32, #tpu.memory_space<vmem>>, %arg3: memref<128x128xf32, #tpu.memory_space<vmem>>, %arg4: memref<128x128xf32, #tpu.memory_space<vmem>>, %arg5: memref<4x32x32xf32, #tpu.memory_space<vmem>>, %arg6: memref<4x32x32xf32, #tpu.memory_space<vmem>>, %arg7: memref<1000x144xf32, #tpu.memory_space<vmem>>, %arg8: memref<1000x144xf32, #tpu.memory_space<vmem>>, %arg9: memref<1000x128xf32, #tpu.memory_space<vmem>>) attributes {dimension_semantics = [#tpu.dimension_semantics<arbitrary>], iteration_bounds = array<i64: 10>, scalar_prefetch = 0 : i64, scratch_operands = 0 : i64, tpu.core_type = #tpu.core_type<tc>, window_params = [{transform_indices = @transform_0, window_bounds = array<i64: 1000, 128>}, {pipeline_mode = #tpu.pipeline_mode<synchronous>, transform_indices = @transform_1, window_bounds = array<i64: 128, 128>}, {pipeline_mode = #tpu.pipeline_mode<synchronous>, transform_indices = @transform_2, window_bounds = array<i64: 128, 128>}, {pipeline_mode = #tpu.pipeline_mode<synchronous>, transform_indices = @transform_3, window_bounds = array<i64: 128, 128>}, {pipeline_mode = #tpu.pipeline_mode<synchronous>, transform_indices = @transform_4, window_bounds = array<i64: 4, 32, 32>}, {pipeline_mode = #tpu.pipeline_mode<synchronous>, transform_indices = @transform_5, window_bounds = array<i64: 4, 32, 32>}, {transform_indices = @transform_6, window_bounds = array<i64: 1000, 144>}, {transform_indices = @transform_7, window_bounds = array<i64: 1000, 144>}, {transform_indices = @transform_8, window_bounds = array<i64: 1000, 128>}]} {
    %get3A = arith.constant 0 : index
    %get3A_0 = arith.constant 0 : index
    %get3A_1 = vector.load %arg1[%get3A, %get3A_0] : memref<1000x128xf32, #tpu.memory_space<vmem>>, vector<1000x128xf32>
    %get3A_2 = arith.constant 0 : index
    %get3A_3 = arith.constant 0 : index
    %get3A_4 = vector.load %arg2[%get3A_2, %get3A_3] : memref<128x128xf32, #tpu.memory_space<vmem>>, vector<128x128xf32>
    %dot_general3A = arith.constant dense<0.000000e+00> : vector<1000x128xf32>
    %dot_general3A_5 = tpu.matmul %get3A_1, %get3A_4, %dot_general3A {dimension_numbers = #tpu.dot_dimension_numbers<[1], [1], [0], [0], [0, 0, 1, 0], [], []>, transpose_lhs_hint = false} : vector<1000x128xf32>, vector<128x128xf32>, vector<1000x128xf32> -> vector<1000x128xf32>
    %get3A_6 = arith.constant 0 : index
    %get3A_7 = arith.constant 0 : index
    %get3A_8 = vector.load %arg3[%get3A_6, %get3A_7] : memref<128x128xf32, #tpu.memory_space<vmem>>, vector<128x128xf32>
    %dot_general3A_9 = arith.constant dense<0.000000e+00> : vector<1000x128xf32>
    %dot_general3A_10 = tpu.matmul %get3A_1, %get3A_8, %dot_general3A_9 {dimension_numbers = #tpu.dot_dimension_numbers<[1], [1], [0], [0], [0, 0, 1, 0], [], []>, transpose_lhs_hint = false} : vector<1000x128xf32>, vector<128x128xf32>, vector<1000x128xf32> -> vector<1000x128xf32>
    %get3A_11 = arith.constant 0 : index
    %get3A_12 = arith.constant 0 : index
    %get3A_13 = vector.load %arg4[%get3A_11, %get3A_12] : memref<128x128xf32, #tpu.memory_space<vmem>>, vector<128x128xf32>
    %dot_general3A_14 = arith.constant dense<0.000000e+00> : vector<1000x128xf32>
    %dot_general3A_15 = tpu.matmul %get3A_1, %get3A_13, %dot_general3A_14 {dimension_numbers = #tpu.dot_dimension_numbers<[1], [1], [0], [0], [0, 0, 1, 0], [], []>, transpose_lhs_hint = false} : vector<1000x128xf32>, vector<128x128xf32>, vector<1000x128xf32> -> vector<1000x128xf32>
    %get3A_16 = arith.constant 0 : index
    %get3A_17 = arith.constant 0 : index
    %get3A_18 = arith.constant 0 : index
    %get3A_19 = vector.load %arg5[%get3A_16, %get3A_17, %get3A_18] : memref<4x32x32xf32, #tpu.memory_space<vmem>>, vector<1x32x32xf32>
    %get3A_20 = vector.shape_cast %get3A_19 : vector<1x32x32xf32> to vector<32x32xf32>
    %get3A_21 = arith.constant 0 : index
    %get3A_22 = arith.constant 0 : index
    %get3A_23 = arith.constant 0 : index
    %get3A_24 = vector.load %arg6[%get3A_21, %get3A_22, %get3A_23] : memref<4x32x32xf32, #tpu.memory_space<vmem>>, vector<1x32x32xf32>
    %get3A_25 = vector.shape_cast %get3A_24 : vector<1x32x32xf32> to vector<32x32xf32>
    %dot_general3A_26 = arith.constant dense<0.000000e+00> : vector<32x32xf32>
    %dot_general3A_27 = tpu.matmul %get3A_20, %get3A_20, %dot_general3A_26 {dimension_numbers = #tpu.dot_dimension_numbers<[1], [1], [0], [0], [0, 0, 1, 0], [], []>, transpose_lhs_hint = false} : vector<32x32xf32>, vector<32x32xf32>, vector<32x32xf32> -> vector<32x32xf32>
    %dot_general3A_28 = arith.constant dense<0.000000e+00> : vector<32x32xf32>
    %dot_general3A_29 = tpu.matmul %get3A_25, %get3A_25, %dot_general3A_28 {dimension_numbers = #tpu.dot_dimension_numbers<[1], [1], [0], [0], [0, 0, 1, 0], [], []>, transpose_lhs_hint = false} : vector<32x32xf32>, vector<32x32xf32>, vector<32x32xf32> -> vector<32x32xf32>
    %sub3A = arith.subf %dot_general3A_27, %dot_general3A_29 : vector<32x32xf32>
    %slice3A = vector.extract_strided_slice %dot_general3A_10 {offsets = [0, 0], sizes = [1000, 32], strides = [1, 1]} : vector<1000x128xf32> to vector<1000x32xf32>
    %slice3A_30 = vector.extract_strided_slice %dot_general3A_5 {offsets = [0, 0], sizes = [1000, 32], strides = [1, 1]} : vector<1000x128xf32> to vector<1000x32xf32>
    %dot_general3A_31 = arith.constant dense<0.000000e+00> : vector<1000x32xf32>
    %dot_general3A_32 = tpu.matmul %slice3A, %sub3A, %dot_general3A_31 {dimension_numbers = #tpu.dot_dimension_numbers<[1], [0], [0], [1], [0, 0, 1, 1], [], []>, transpose_lhs_hint = false} : vector<1000x32xf32>, vector<32x32xf32>, vector<1000x32xf32> -> vector<1000x32xf32>
    %dot_general3A_33 = arith.constant dense<0.000000e+00> : vector<1000x32xf32>
    %dot_general3A_34 = tpu.matmul %slice3A_30, %sub3A, %dot_general3A_33 {dimension_numbers = #tpu.dot_dimension_numbers<[1], [0], [0], [1], [0, 0, 1, 1], [], []>, transpose_lhs_hint = false} : vector<1000x32xf32>, vector<32x32xf32>, vector<1000x32xf32> -> vector<1000x32xf32>
    %mul3A = arith.mulf %slice3A, %dot_general3A_32 : vector<1000x32xf32>
    %reduce_sum3A = arith.constant dense<0.000000e+00> : vector<1000xf32>
    %reduce_sum3A_35 = vector.multi_reduction <add>, %mul3A, %reduce_sum3A [1] : vector<1000x32xf32> to vector<1000xf32>
    %broadcast_in_dim3A = vector.shape_cast %reduce_sum3A_35 : vector<1000xf32> to vector<1000x1xf32>
    %mul3A_36 = arith.mulf %slice3A_30, %dot_general3A_34 : vector<1000x32xf32>
    %reduce_sum3A_37 = arith.constant dense<0.000000e+00> : vector<1000xf32>
    %reduce_sum3A_38 = vector.multi_reduction <add>, %mul3A_36, %reduce_sum3A_37 [1] : vector<1000x32xf32> to vector<1000xf32>
    %broadcast_in_dim3A_39 = vector.shape_cast %reduce_sum3A_38 : vector<1000xf32> to vector<1000x1xf32>
    %get3A_40 = arith.constant 1 : index
    %get3A_41 = arith.constant 0 : index
    %get3A_42 = arith.constant 0 : index
    %get3A_43 = vector.load %arg5[%get3A_40, %get3A_41, %get3A_42] : memref<4x32x32xf32, #tpu.memory_space<vmem>>, vector<1x32x32xf32>
    %get3A_44 = vector.shape_cast %get3A_43 : vector<1x32x32xf32> to vector<32x32xf32>
    %get3A_45 = arith.constant 1 : index
    %get3A_46 = arith.constant 0 : index
    %get3A_47 = arith.constant 0 : index
    %get3A_48 = vector.load %arg6[%get3A_45, %get3A_46, %get3A_47] : memref<4x32x32xf32, #tpu.memory_space<vmem>>, vector<1x32x32xf32>
    %get3A_49 = vector.shape_cast %get3A_48 : vector<1x32x32xf32> to vector<32x32xf32>
    %dot_general3A_50 = arith.constant dense<0.000000e+00> : vector<32x32xf32>
    %dot_general3A_51 = tpu.matmul %get3A_44, %get3A_44, %dot_general3A_50 {dimension_numbers = #tpu.dot_dimension_numbers<[1], [1], [0], [0], [0, 0, 1, 0], [], []>, transpose_lhs_hint = false} : vector<32x32xf32>, vector<32x32xf32>, vector<32x32xf32> -> vector<32x32xf32>
    %dot_general3A_52 = arith.constant dense<0.000000e+00> : vector<32x32xf32>
    %dot_general3A_53 = tpu.matmul %get3A_49, %get3A_49, %dot_general3A_52 {dimension_numbers = #tpu.dot_dimension_numbers<[1], [1], [0], [0], [0, 0, 1, 0], [], []>, transpose_lhs_hint = false} : vector<32x32xf32>, vector<32x32xf32>, vector<32x32xf32> -> vector<32x32xf32>
    %sub3A_54 = arith.subf %dot_general3A_51, %dot_general3A_53 : vector<32x32xf32>
    %slice3A_55 = vector.extract_strided_slice %dot_general3A_10 {offsets = [0, 32], sizes = [1000, 32], strides = [1, 1]} : vector<1000x128xf32> to vector<1000x32xf32>
    %slice3A_56 = vector.extract_strided_slice %dot_general3A_5 {offsets = [0, 32], sizes = [1000, 32], strides = [1, 1]} : vector<1000x128xf32> to vector<1000x32xf32>
    %dot_general3A_57 = arith.constant dense<0.000000e+00> : vector<1000x32xf32>
    %dot_general3A_58 = tpu.matmul %slice3A_55, %sub3A_54, %dot_general3A_57 {dimension_numbers = #tpu.dot_dimension_numbers<[1], [0], [0], [1], [0, 0, 1, 1], [], []>, transpose_lhs_hint = false} : vector<1000x32xf32>, vector<32x32xf32>, vector<1000x32xf32> -> vector<1000x32xf32>
    %dot_general3A_59 = arith.constant dense<0.000000e+00> : vector<1000x32xf32>
    %dot_general3A_60 = tpu.matmul %slice3A_56, %sub3A_54, %dot_general3A_59 {dimension_numbers = #tpu.dot_dimension_numbers<[1], [0], [0], [1], [0, 0, 1, 1], [], []>, transpose_lhs_hint = false} : vector<1000x32xf32>, vector<32x32xf32>, vector<1000x32xf32> -> vector<1000x32xf32>
    %mul3A_61 = arith.mulf %slice3A_55, %dot_general3A_58 : vector<1000x32xf32>
    %reduce_sum3A_62 = arith.constant dense<0.000000e+00> : vector<1000xf32>
    %reduce_sum3A_63 = vector.multi_reduction <add>, %mul3A_61, %reduce_sum3A_62 [1] : vector<1000x32xf32> to vector<1000xf32>
    %broadcast_in_dim3A_64 = vector.shape_cast %reduce_sum3A_63 : vector<1000xf32> to vector<1000x1xf32>
    %mul3A_65 = arith.mulf %slice3A_56, %dot_general3A_60 : vector<1000x32xf32>
    %reduce_sum3A_66 = arith.constant dense<0.000000e+00> : vector<1000xf32>
    %reduce_sum3A_67 = vector.multi_reduction <add>, %mul3A_65, %reduce_sum3A_66 [1] : vector<1000x32xf32> to vector<1000xf32>
    %broadcast_in_dim3A_68 = vector.shape_cast %reduce_sum3A_67 : vector<1000xf32> to vector<1000x1xf32>
    %get3A_69 = arith.constant 2 : index
    %get3A_70 = arith.constant 0 : index
    %get3A_71 = arith.constant 0 : index
    %get3A_72 = vector.load %arg5[%get3A_69, %get3A_70, %get3A_71] : memref<4x32x32xf32, #tpu.memory_space<vmem>>, vector<1x32x32xf32>
    %get3A_73 = vector.shape_cast %get3A_72 : vector<1x32x32xf32> to vector<32x32xf32>
    %get3A_74 = arith.constant 2 : index
    %get3A_75 = arith.constant 0 : index
    %get3A_76 = arith.constant 0 : index
    %get3A_77 = vector.load %arg6[%get3A_74, %get3A_75, %get3A_76] : memref<4x32x32xf32, #tpu.memory_space<vmem>>, vector<1x32x32xf32>
    %get3A_78 = vector.shape_cast %get3A_77 : vector<1x32x32xf32> to vector<32x32xf32>
    %dot_general3A_79 = arith.constant dense<0.000000e+00> : vector<32x32xf32>
    %dot_general3A_80 = tpu.matmul %get3A_73, %get3A_73, %dot_general3A_79 {dimension_numbers = #tpu.dot_dimension_numbers<[1], [1], [0], [0], [0, 0, 1, 0], [], []>, transpose_lhs_hint = false} : vector<32x32xf32>, vector<32x32xf32>, vector<32x32xf32> -> vector<32x32xf32>
    %dot_general3A_81 = arith.constant dense<0.000000e+00> : vector<32x32xf32>
    %dot_general3A_82 = tpu.matmul %get3A_78, %get3A_78, %dot_general3A_81 {dimension_numbers = #tpu.dot_dimension_numbers<[1], [1], [0], [0], [0, 0, 1, 0], [], []>, transpose_lhs_hint = false} : vector<32x32xf32>, vector<32x32xf32>, vector<32x32xf32> -> vector<32x32xf32>
    %sub3A_83 = arith.subf %dot_general3A_80, %dot_general3A_82 : vector<32x32xf32>
    %slice3A_84 = vector.extract_strided_slice %dot_general3A_10 {offsets = [0, 64], sizes = [1000, 32], strides = [1, 1]} : vector<1000x128xf32> to vector<1000x32xf32>
    %slice3A_85 = vector.extract_strided_slice %dot_general3A_5 {offsets = [0, 64], sizes = [1000, 32], strides = [1, 1]} : vector<1000x128xf32> to vector<1000x32xf32>
    %dot_general3A_86 = arith.constant dense<0.000000e+00> : vector<1000x32xf32>
    %dot_general3A_87 = tpu.matmul %slice3A_84, %sub3A_83, %dot_general3A_86 {dimension_numbers = #tpu.dot_dimension_numbers<[1], [0], [0], [1], [0, 0, 1, 1], [], []>, transpose_lhs_hint = false} : vector<1000x32xf32>, vector<32x32xf32>, vector<1000x32xf32> -> vector<1000x32xf32>
    %dot_general3A_88 = arith.constant dense<0.000000e+00> : vector<1000x32xf32>
    %dot_general3A_89 = tpu.matmul %slice3A_85, %sub3A_83, %dot_general3A_88 {dimension_numbers = #tpu.dot_dimension_numbers<[1], [0], [0], [1], [0, 0, 1, 1], [], []>, transpose_lhs_hint = false} : vector<1000x32xf32>, vector<32x32xf32>, vector<1000x32xf32> -> vector<1000x32xf32>
    %mul3A_90 = arith.mulf %slice3A_84, %dot_general3A_87 : vector<1000x32xf32>
    %reduce_sum3A_91 = arith.constant dense<0.000000e+00> : vector<1000xf32>
    %reduce_sum3A_92 = vector.multi_reduction <add>, %mul3A_90, %reduce_sum3A_91 [1] : vector<1000x32xf32> to vector<1000xf32>
    %broadcast_in_dim3A_93 = vector.shape_cast %reduce_sum3A_92 : vector<1000xf32> to vector<1000x1xf32>
    %mul3A_94 = arith.mulf %slice3A_85, %dot_general3A_89 : vector<1000x32xf32>
    %reduce_sum3A_95 = arith.constant dense<0.000000e+00> : vector<1000xf32>
    %reduce_sum3A_96 = vector.multi_reduction <add>, %mul3A_94, %reduce_sum3A_95 [1] : vector<1000x32xf32> to vector<1000xf32>
    %broadcast_in_dim3A_97 = vector.shape_cast %reduce_sum3A_96 : vector<1000xf32> to vector<1000x1xf32>
    %get3A_98 = arith.constant 3 : index
    %get3A_99 = arith.constant 0 : index
    %get3A_100 = arith.constant 0 : index
    %get3A_101 = vector.load %arg5[%get3A_98, %get3A_99, %get3A_100] : memref<4x32x32xf32, #tpu.memory_space<vmem>>, vector<1x32x32xf32>
    %get3A_102 = vector.shape_cast %get3A_101 : vector<1x32x32xf32> to vector<32x32xf32>
    %get3A_103 = arith.constant 3 : index
    %get3A_104 = arith.constant 0 : index
    %get3A_105 = arith.constant 0 : index
    %get3A_106 = vector.load %arg6[%get3A_103, %get3A_104, %get3A_105] : memref<4x32x32xf32, #tpu.memory_space<vmem>>, vector<1x32x32xf32>
    %get3A_107 = vector.shape_cast %get3A_106 : vector<1x32x32xf32> to vector<32x32xf32>
    %dot_general3A_108 = arith.constant dense<0.000000e+00> : vector<32x32xf32>
    %dot_general3A_109 = tpu.matmul %get3A_102, %get3A_102, %dot_general3A_108 {dimension_numbers = #tpu.dot_dimension_numbers<[1], [1], [0], [0], [0, 0, 1, 0], [], []>, transpose_lhs_hint = false} : vector<32x32xf32>, vector<32x32xf32>, vector<32x32xf32> -> vector<32x32xf32>
    %dot_general3A_110 = arith.constant dense<0.000000e+00> : vector<32x32xf32>
    %dot_general3A_111 = tpu.matmul %get3A_107, %get3A_107, %dot_general3A_110 {dimension_numbers = #tpu.dot_dimension_numbers<[1], [1], [0], [0], [0, 0, 1, 0], [], []>, transpose_lhs_hint = false} : vector<32x32xf32>, vector<32x32xf32>, vector<32x32xf32> -> vector<32x32xf32>
    %sub3A_112 = arith.subf %dot_general3A_109, %dot_general3A_111 : vector<32x32xf32>
    %slice3A_113 = vector.extract_strided_slice %dot_general3A_10 {offsets = [0, 96], sizes = [1000, 32], strides = [1, 1]} : vector<1000x128xf32> to vector<1000x32xf32>
    %slice3A_114 = vector.extract_strided_slice %dot_general3A_5 {offsets = [0, 96], sizes = [1000, 32], strides = [1, 1]} : vector<1000x128xf32> to vector<1000x32xf32>
    %dot_general3A_115 = arith.constant dense<0.000000e+00> : vector<1000x32xf32>
    %dot_general3A_116 = tpu.matmul %slice3A_113, %sub3A_112, %dot_general3A_115 {dimension_numbers = #tpu.dot_dimension_numbers<[1], [0], [0], [1], [0, 0, 1, 1], [], []>, transpose_lhs_hint = false} : vector<1000x32xf32>, vector<32x32xf32>, vector<1000x32xf32> -> vector<1000x32xf32>
    %dot_general3A_117 = arith.constant dense<0.000000e+00> : vector<1000x32xf32>
    %dot_general3A_118 = tpu.matmul %slice3A_114, %sub3A_112, %dot_general3A_117 {dimension_numbers = #tpu.dot_dimension_numbers<[1], [0], [0], [1], [0, 0, 1, 1], [], []>, transpose_lhs_hint = false} : vector<1000x32xf32>, vector<32x32xf32>, vector<1000x32xf32> -> vector<1000x32xf32>
    %mul3A_119 = arith.mulf %slice3A_113, %dot_general3A_116 : vector<1000x32xf32>
    %reduce_sum3A_120 = arith.constant dense<0.000000e+00> : vector<1000xf32>
    %reduce_sum3A_121 = vector.multi_reduction <add>, %mul3A_119, %reduce_sum3A_120 [1] : vector<1000x32xf32> to vector<1000xf32>
    %broadcast_in_dim3A_122 = vector.shape_cast %reduce_sum3A_121 : vector<1000xf32> to vector<1000x1xf32>
    %mul3A_123 = arith.mulf %slice3A_114, %dot_general3A_118 : vector<1000x32xf32>
    %reduce_sum3A_124 = arith.constant dense<0.000000e+00> : vector<1000xf32>
    %reduce_sum3A_125 = vector.multi_reduction <add>, %mul3A_123, %reduce_sum3A_124 [1] : vector<1000x32xf32> to vector<1000xf32>
    %broadcast_in_dim3A_126 = vector.shape_cast %reduce_sum3A_125 : vector<1000xf32> to vector<1000x1xf32>
    %broadcast_in_dim3A_127 = arith.constant 0.000000e+00 : f32
    %broadcast_in_dim3A_128 = vector.broadcast %broadcast_in_dim3A_127 : f32 to vector<1000x12xf32>
    %concatenate3A = tpu.concatenate %broadcast_in_dim3A, %broadcast_in_dim3A_64, %broadcast_in_dim3A_93, %broadcast_in_dim3A_122 in 1 : vector<1000x1xf32>, vector<1000x1xf32>, vector<1000x1xf32>, vector<1000x1xf32> -> vector<1000x4xf32>
    %mul3A_129 = arith.constant 0.176776692 : f32
    %mul3A_130 = vector.broadcast %mul3A_129 : f32 to vector<1000x4xf32>
    %mul3A_131 = arith.mulf %mul3A_130, %concatenate3A : vector<1000x4xf32>
    %concatenate3A_132 = tpu.concatenate %broadcast_in_dim3A_39, %broadcast_in_dim3A_68, %broadcast_in_dim3A_97, %broadcast_in_dim3A_126 in 1 : vector<1000x1xf32>, vector<1000x1xf32>, vector<1000x1xf32>, vector<1000x1xf32> -> vector<1000x4xf32>
    %mul3A_133 = arith.constant 0.176776692 : f32
    %mul3A_134 = vector.broadcast %mul3A_133 : f32 to vector<1000x4xf32>
    %mul3A_135 = arith.mulf %mul3A_134, %concatenate3A_132 : vector<1000x4xf32>
    %concatenate3A_136 = tpu.concatenate %dot_general3A_34, %dot_general3A_60, %dot_general3A_89, %dot_general3A_118 in 1 : vector<1000x32xf32>, vector<1000x32xf32>, vector<1000x32xf32>, vector<1000x32xf32> -> vector<1000x128xf32>
    %mul3A_137 = arith.constant -0.353553385 : f32
    %mul3A_138 = vector.broadcast %mul3A_137 : f32 to vector<1000x128xf32>
    %mul3A_139 = arith.mulf %mul3A_138, %concatenate3A_136 : vector<1000x128xf32>
    %concatenate3A_140 = tpu.concatenate %dot_general3A_10, %mul3A_131, %broadcast_in_dim3A_128 in 1 : vector<1000x128xf32>, vector<1000x4xf32>, vector<1000x12xf32> -> vector<1000x144xf32>
    %swap3A = arith.constant 0 : index
    %swap3A_141 = arith.constant 0 : index
    %swap3A_142 = vector.load %arg7[%swap3A, %swap3A_141] : memref<1000x144xf32, #tpu.memory_space<vmem>>, vector<1000x144xf32>
    tpu.vector_store %arg7[%swap3A, %swap3A_141], %concatenate3A_140 {strides = array<i32>} : memref<1000x144xf32, #tpu.memory_space<vmem>>, vector<1000x144xf32>,
    %concatenate3A_143 = tpu.concatenate %mul3A_139, %mul3A_135, %broadcast_in_dim3A_128 in 1 : vector<1000x128xf32>, vector<1000x4xf32>, vector<1000x12xf32> -> vector<1000x144xf32>
    %swap3A_144 = arith.constant 0 : index
    %swap3A_145 = arith.constant 0 : index
    %swap3A_146 = vector.load %arg8[%swap3A_144, %swap3A_145] : memref<1000x144xf32, #tpu.memory_space<vmem>>, vector<1000x144xf32>
    tpu.vector_store %arg8[%swap3A_144, %swap3A_145], %concatenate3A_143 {strides = array<i32>} : memref<1000x144xf32, #tpu.memory_space<vmem>>, vector<1000x144xf32>,
    %swap3A_147 = arith.constant 0 : index
    %swap3A_148 = arith.constant 0 : index
    %swap3A_149 = vector.load %arg9[%swap3A_147, %swap3A_148] : memref<1000x128xf32, #tpu.memory_space<vmem>>, vector<1000x128xf32>
    tpu.vector_store %arg9[%swap3A_147, %swap3A_148], %dot_general3A_15 {strides = array<i32>} : memref<1000x128xf32, #tpu.memory_space<vmem>>, vector<1000x128xf32>,
    return
  }
  func.func @transform_0(%arg0: i32) -> (i32, i32) {
    %c0_i32 = arith.constant 0 : i32
    %c0_i32_0 = arith.constant 0 : i32
    return %arg0, %c0_i32 : i32, i32
  }
  func.func @transform_1(%arg0: i32) -> (i32, i32) {
    %c0_i32 = arith.constant 0 : i32
    %c0_i32_0 = arith.constant 0 : i32
    %c0_i32_1 = arith.constant 0 : i32
    return %c0_i32, %c0_i32_0 : i32, i32
  }
  func.func @transform_2(%arg0: i32) -> (i32, i32) {
    %c0_i32 = arith.constant 0 : i32
    %c0_i32_0 = arith.constant 0 : i32
    %c0_i32_1 = arith.constant 0 : i32
    return %c0_i32, %c0_i32_0 : i32, i32
  }
  func.func @transform_3(%arg0: i32) -> (i32, i32) {
    %c0_i32 = arith.constant 0 : i32
    %c0_i32_0 = arith.constant 0 : i32
    %c0_i32_1 = arith.constant 0 : i32
    return %c0_i32, %c0_i32_0 : i32, i32
  }
  func.func @transform_4(%arg0: i32) -> (i32, i32, i32) {
    %c0_i32 = arith.constant 0 : i32
    %c0_i32_0 = arith.constant 0 : i32
    %c0_i32_1 = arith.constant 0 : i32
    %c0_i32_2 = arith.constant 0 : i32
    return %c0_i32, %c0_i32_0, %c0_i32_1 : i32, i32, i32
  }
  func.func @transform_5(%arg0: i32) -> (i32, i32, i32) {
    %c0_i32 = arith.constant 0 : i32
    %c0_i32_0 = arith.constant 0 : i32
    %c0_i32_1 = arith.constant 0 : i32
    %c0_i32_2 = arith.constant 0 : i32
    return %c0_i32, %c0_i32_0, %c0_i32_1 : i32, i32, i32
  }
  func.func @transform_6(%arg0: i32) -> (i32, i32) {
    %c0_i32 = arith.constant 0 : i32
    %c0_i32_0 = arith.constant 0 : i32
    return %arg0, %c0_i32 : i32, i32
  }
  func.func @transform_7(%arg0: i32) -> (i32, i32) {
    %c0_i32 = arith.constant 0 : i32
    %c0_i32_0 = arith.constant 0 : i32
    return %arg0, %c0_i32 : i32, i32
  }
  func.func @transform_8(%arg0: i32) -> (i32, i32) {
    %c0_i32 = arith.constant 0 : i32
    %c0_i32_0 = arith.constant 0 : i32
    return %arg0, %c0_i32 : i32, i32
  }
}

module attributes {stable_mosaic.version = 14 : i64} {
  func.func @_maxmerge_body(%arg0: i32, %arg1: memref<2x1024x4xf32, #tpu.memory_space<vmem>>, %arg2: memref<1024x16xf32, #tpu.memory_space<vmem>>) attributes {dimension_semantics = [#tpu.dimension_semantics<arbitrary>], iteration_bounds = array<i64: 10>, scalar_prefetch = 0 : i64, scratch_operands = 0 : i64, tpu.core_type = #tpu.core_type<tc>, window_params = [{transform_indices = @transform_0, window_bounds = array<i64: 2, 1024, 4>}, {transform_indices = @transform_1, window_bounds = array<i64: 1024, 16>}]} {
    %get3A = arith.constant 0 : index
    %get3A_0 = arith.constant 0 : index
    %get3A_1 = arith.constant 0 : index
    %get3A_2 = vector.load %arg1[%get3A, %get3A_0, %get3A_1] : memref<2x1024x4xf32, #tpu.memory_space<vmem>>, vector<2x1024x4xf32>
    %slice3A = vector.extract_strided_slice %get3A_2 {offsets = [0, 0, 0], sizes = [1, 1024, 4], strides = [1, 1, 1]} : vector<2x1024x4xf32> to vector<1x1024x4xf32>
    %squeeze3A = vector.shape_cast %slice3A : vector<1x1024x4xf32> to vector<1024x4xf32>
    %slice3A_3 = vector.extract_strided_slice %get3A_2 {offsets = [1, 0, 0], sizes = [1, 1024, 4], strides = [1, 1, 1]} : vector<2x1024x4xf32> to vector<1x1024x4xf32>
    %squeeze3A_4 = vector.shape_cast %slice3A_3 : vector<1x1024x4xf32> to vector<1024x4xf32>
    %max3A = arith.maximumf %squeeze3A, %squeeze3A_4 : vector<1024x4xf32>
    %broadcast_in_dim3A = arith.constant 0.000000e+00 : f32
    %broadcast_in_dim3A_5 = vector.broadcast %broadcast_in_dim3A : f32 to vector<1024x12xf32>
    %concatenate3A = tpu.concatenate %max3A, %broadcast_in_dim3A_5 in 1 : vector<1024x4xf32>, vector<1024x12xf32> -> vector<1024x16xf32>
    %swap3A = arith.constant 0 : index
    %swap3A_6 = arith.constant 0 : index
    %swap3A_7 = vector.load %arg2[%swap3A, %swap3A_6] : memref<1024x16xf32, #tpu.memory_space<vmem>>, vector<1024x16xf32>
    tpu.vector_store %arg2[%swap3A, %swap3A_6], %concatenate3A {strides = array<i32>} : memref<1024x16xf32, #tpu.memory_space<vmem>>, vector<1024x16xf32>,
    return
  }
  func.func @transform_0(%arg0: i32) -> (i32, i32, i32) {
    %c0_i32 = arith.constant 0 : i32
    %c0_i32_0 = arith.constant 0 : i32
    %c0_i32_1 = arith.constant 0 : i32
    return %c0_i32, %arg0, %c0_i32_0 : i32, i32, i32
  }
  func.func @transform_1(%arg0: i32) -> (i32, i32) {
    %c0_i32 = arith.constant 0 : i32
    %c0_i32_0 = arith.constant 0 : i32
    return %arg0, %c0_i32 : i32, i32
  }
}

module attributes {stable_mosaic.version = 14 : i64} {
  func.func @_final_body(%arg0: i32, %arg1: memref<2x1000x144xf32, #tpu.memory_space<vmem>>, %arg2: memref<1000x128xf32, #tpu.memory_space<vmem>>) attributes {dimension_semantics = [#tpu.dimension_semantics<arbitrary>], iteration_bounds = array<i64: 10>, scalar_prefetch = 0 : i64, scratch_operands = 0 : i64, tpu.core_type = #tpu.core_type<tc>, window_params = [{transform_indices = @transform_0, window_bounds = array<i64: 2, 1000, 144>}, {transform_indices = @transform_1, window_bounds = array<i64: 1000, 128>}]} {
    %get3A = arith.constant 0 : index
    %get3A_0 = arith.constant 0 : index
    %get3A_1 = arith.constant 0 : index
    %get3A_2 = vector.load %arg1[%get3A, %get3A_0, %get3A_1] : memref<2x1000x144xf32, #tpu.memory_space<vmem>>, vector<2x1000x144xf32>
    %slice3A = vector.extract_strided_slice %get3A_2 {offsets = [0, 0, 0], sizes = [1, 1000, 144], strides = [1, 1, 1]} : vector<2x1000x144xf32> to vector<1x1000x144xf32>
    %squeeze3A = vector.shape_cast %slice3A : vector<1x1000x144xf32> to vector<1000x144xf32>
    %slice3A_3 = vector.extract_strided_slice %get3A_2 {offsets = [1, 0, 0], sizes = [1, 1000, 144], strides = [1, 1, 1]} : vector<2x1000x144xf32> to vector<1x1000x144xf32>
    %squeeze3A_4 = vector.shape_cast %slice3A_3 : vector<1x1000x144xf32> to vector<1000x144xf32>
    %add3A = arith.addf %squeeze3A, %squeeze3A_4 : vector<1000x144xf32>
    %slice3A_5 = vector.extract_strided_slice %add3A {offsets = [0, 0], sizes = [1000, 128], strides = [1, 1]} : vector<1000x144xf32> to vector<1000x128xf32>
    %slice3A_6 = vector.extract_strided_slice %add3A {offsets = [0, 128], sizes = [1000, 4], strides = [1, 1]} : vector<1000x144xf32> to vector<1000x4xf32>
    %add3A_7 = arith.constant 1.000000e-16 : f32
    %add3A_8 = vector.broadcast %add3A_7 : f32 to vector<1000x4xf32>
    %add3A_9 = arith.addf %slice3A_6, %add3A_8 : vector<1000x4xf32>
    %slice3A_10 = vector.extract_strided_slice %add3A_9 {offsets = [0, 0], sizes = [1000, 1], strides = [1, 1]} : vector<1000x4xf32> to vector<1000x1xf32>
    %broadcast_in_dim3A = vector.shape_cast %slice3A_10 : vector<1000x1xf32> to vector<1000x1xf32>
    %broadcast_in_dim3A_11 = vector.broadcast %broadcast_in_dim3A : vector<1000x1xf32> to vector<1000x32xf32>
    %slice3A_12 = vector.extract_strided_slice %add3A_9 {offsets = [0, 1], sizes = [1000, 1], strides = [1, 1]} : vector<1000x4xf32> to vector<1000x1xf32>
    %broadcast_in_dim3A_13 = vector.shape_cast %slice3A_12 : vector<1000x1xf32> to vector<1000x1xf32>
    %broadcast_in_dim3A_14 = vector.broadcast %broadcast_in_dim3A_13 : vector<1000x1xf32> to vector<1000x32xf32>
    %slice3A_15 = vector.extract_strided_slice %add3A_9 {offsets = [0, 2], sizes = [1000, 1], strides = [1, 1]} : vector<1000x4xf32> to vector<1000x1xf32>
    %broadcast_in_dim3A_16 = vector.shape_cast %slice3A_15 : vector<1000x1xf32> to vector<1000x1xf32>
    %broadcast_in_dim3A_17 = vector.broadcast %broadcast_in_dim3A_16 : vector<1000x1xf32> to vector<1000x32xf32>
    %slice3A_18 = vector.extract_strided_slice %add3A_9 {offsets = [0, 3], sizes = [1000, 1], strides = [1, 1]} : vector<1000x4xf32> to vector<1000x1xf32>
    %broadcast_in_dim3A_19 = vector.shape_cast %slice3A_18 : vector<1000x1xf32> to vector<1000x1xf32>
    %broadcast_in_dim3A_20 = vector.broadcast %broadcast_in_dim3A_19 : vector<1000x1xf32> to vector<1000x32xf32>
    %concatenate3A = tpu.concatenate %broadcast_in_dim3A_11, %broadcast_in_dim3A_14, %broadcast_in_dim3A_17, %broadcast_in_dim3A_20 in 1 : vector<1000x32xf32>, vector<1000x32xf32>, vector<1000x32xf32>, vector<1000x32xf32> -> vector<1000x128xf32>
    %div3A = arith.divf %slice3A_5, %concatenate3A : vector<1000x128xf32>
    %swap3A = arith.constant 0 : index
    %swap3A_21 = arith.constant 0 : index
    %swap3A_22 = vector.load %arg2[%swap3A, %swap3A_21] : memref<1000x128xf32, #tpu.memory_space<vmem>>, vector<1000x128xf32>
    tpu.vector_store %arg2[%swap3A, %swap3A_21], %div3A {strides = array<i32>} : memref<1000x128xf32, #tpu.memory_space<vmem>>, vector<1000x128xf32>,
    return
  }
  func.func @transform_0(%arg0: i32) -> (i32, i32, i32) {
    %c0_i32 = arith.constant 0 : i32
    %c0_i32_0 = arith.constant 0 : i32
    %c0_i32_1 = arith.constant 0 : i32
    return %c0_i32, %arg0, %c0_i32_0 : i32, i32, i32
  }
  func.func @transform_1(%arg0: i32) -> (i32, i32) {
    %c0_i32 = arith.constant 0 : i32
    %c0_i32_0 = arith.constant 0 : i32
    return %arg0, %c0_i32 : i32, i32
  }
}

</mosaic_0001>

<sc_bundles>
// kernel: kernel.10.cloned.1.call-start
scs
__scs_entry_jumppad:
0x0: {  	(pc) =	sbr.rel $0x88, $3  }
0x1: {  	(tag) =	ssettag $0x0;
	lr =	simm.s32 $0x1  }
0x2: {  	[smem:$0x3F9A] =	sst lr;
	_ =	strace $0xD0000000  }
0x3: {  	_ = 	snop  }
0x4: {  	_ = 	snop  }
0x5: {  	_ = 	snop  }
0x6: {  	_ = 	snop  }
0x7: {  	_ = 	snop  }
__scs_overlays_trampoline_lowered:
0x8: {  	[smem:$0x3FA9] =	sst s0  }
0x9: {  	[smem:$0x3FAA] =	sst s1  }
0xa: {  	[smem:$0x3FAB] =	sst s2  }
0xb: {  	[smem:$0x3FAC] =	sst s3  }
0xc: {  	[smem:$0x3FAD] =	sst s4  }
0xd: {  	[smem:$0x3FAE] =	sst s5  }
0xe: {  	[smem:$0x3FAF] =	sst s6  }
0xf: {  	[smem:$0x3FB0] =	sst s7  }
0x10: {  	[smem:$0x3FB1] =	sst s8  }
0x11: {  	[smem:$0x3FB2] =	sst s9;
	s0 =	simm.s32 @!p0 $0x0  }
0x12: {  	s1 =	sld [smem:$0x3F98];
	s0 =	simm.s32 @p0 $0x1  }
0x13: {  	[smem:$0x3FB3] =	sst s0;
	s0 =	simm.s32 @!p1 $0x0  }
0x14: {  	s2 =	sld [smem:$0x3F97];
	s0 =	simm.s32 @p1 $0x1  }
0x15: {  	[smem:$0x3FB4] =	sst s0;
	s0 =	simm.s32 @!p2 $0x0  }
0x16: {  	s3 =	sld [smem:$0x3FDB];
	s0 =	simm.s32 @p2 $0x1  }
0x17: {  	s4 =	simm.s32 $0x1BF5;
	[smem:$0x3FB6] =	sst s0  }
0x18: {  	s0 =	sld [smem:$0x3F99];
	_ =	swait.ge [sflag:s4], $0x0  }
0x19: {  	s7 =	sld [smem:$0x3F9A]  }
0x1a: {  	s8 =	sadd.s32 $0xFFFFE003, lr  }
0x1b: {  	s9 =	sadd.s32 $0xFFFFFEF7, lr;
	s5 =	simm.s32 $0xFFFFFFFF;
	p2 =	slt.u32 s8, $0xFFFFF086  }
0x1c: {  	p1 =	slt.u32 s9, $0xF7A;
	s5 =	simm.s32 @!p2 $0x0  }
0x1d: {  	s5 =	simm.s32 @p1 $0x1;
	p0 =	seq.s32 s7, s2  }
0x1e: {  	s7 =	smul.u32 @!p0 $0xF7A, s2;
	p2 =	seq.s32 @!p0 s5, $0x0  }
0x1f: {  	s9 =	smul.u32 $0xF7A, s1;
	s8 =	simm.s32 @!p0 $0x1BF5;
	p2 =	por !p2, p0  }
0x20: {  	[sflag:s8] =	ssyncset.s32 @!p0 $0xFFFFF086;
	s6 =	sadd.s32 @!p0 s3, s7;
	s7 =	simm.s32 @!p0 $0x108  }
0x21: {  	s3 =	sadd.s32 s3, s9;
	s6 =	sadd.s32 @!p0 $0x88, s6;
	s7 =	simm.s32 @p2 $0x1082  }
0x22: {  	[simem:s7], [sflag:s8] =	dma.local @!p0 [hbm:s6], $0xF7A  }
0x23: {  	s9 =	sor.u32 $0xD0000000, s2;
	s6 =	simm.s32 $0x108;
	_ =	swait.ge @!p0 [sflag:s8], $0x0  }
0x24: {  	s3 =	sadd.s32 $0x88, s3;
	s6 =	simm.s32 @!p1 $0x1082;
	[sflag:s4] =	ssyncset.s32 $0xFFFFF086  }
0x25: {  	[simem:s6], [sflag:s4] =	dma.local [hbm:s3], $0xF7A  }
0x26: {  	[smem:$0x3F9A] =	sst s1;
	(tag) =	ssettag s2;
	_ =	strace s9  }
0x27: {  	s1 =	sld [smem:$0x3FAA]  }
0x28: {  	s2 =	sld [smem:$0x3FAB]  }
0x29: {  	s4 =	sld [smem:$0x3FAD]  }
0x2a: {  	p0 =	seq.s32 s5, $0x0;
	s5 =	sld [smem:$0x3FAE]  }
0x2b: {  	s6 =	sld [smem:$0x3FAF]  }
0x2c: {  	s7 =	sld [smem:$0x3FB0]  }
0x2d: {  	s3 =	simm.s32 $0x108;
	s8 =	sld [smem:$0x3FB1]  }
0x2e: {  	s3 =	simm.s32 @!p0 $0x1082;
	s9 =	sld [smem:$0x3FB2]  }
0x2f: {  	lr =	sadd.s32 s0, s3;
	s0 =	sld [smem:$0x3FA9]  }
0x30: {  	s3 =	sld [smem:$0x3FAC]  }
0x31: {  	[smem:$0x3FB5] =	sst s10  }
0x32: {  	s10 =	sld [smem:$0x3FB3];
	_ =	sdelay $0x3  }
0x33: {  	p0 =	seq.s32 s10, $0x1;
	s10 =	sld [smem:$0x3FB5];
	_ =	sdelay $0x3  }
0x34: {  	[smem:$0x3FB5] =	sst s10  }
0x35: {  	s10 =	sld [smem:$0x3FB4];
	_ =	sdelay $0x3  }
0x36: {  	p1 =	seq.s32 s10, $0x1;
	s10 =	sld [smem:$0x3FB5];
	_ =	sdelay $0x3  }
0x37: {  	[smem:$0x3FB5] =	sst s10  }
0x38: {  	s10 =	sld [smem:$0x3FB6]  }
0x39: {  	_ = 	snop;
	(pc) =	sbr.ind lr, $3  }
0x3a: {  	_ = 	snop  }
0x3b: {  	_ = 	snop  }
0x3c: {  	p2 =	seq.s32 s10, $0x1;
	s10 =	sld [smem:$0x3FB5]  }
0x3d: {  	_ =	shalt  }
0x3e: {  	_ =	shalt  }
0x3f: {  	_ =	shalt  }
0x40: {  	_ =	shalt  }
0x41: {  	_ =	shalt  }
0x42: {  	_ =	shalt  }
0x43: {  	_ =	shalt  }
0x44: {  	_ =	shalt  }
0x45: {  	_ =	shalt  }
0x46: {  	_ =	shalt  }
0x47: {  	_ =	shalt  }
0x48: {  	_ =	shalt  }
0x49: {  	_ =	shalt  }
0x4a: {  	_ =	shalt  }
0x4b: {  	_ =	shalt  }
0x4c: {  	_ =	shalt  }
0x4d: {  	_ =	shalt  }
0x4e: {  	_ =	shalt  }
0x4f: {  	_ =	shalt  }
0x50: {  	_ =	shalt  }
0x51: {  	_ =	shalt  }
0x52: {  	_ =	shalt  }
0x53: {  	_ =	shalt  }
0x54: {  	_ =	shalt  }
0x55: {  	_ =	shalt  }
0x56: {  	_ =	shalt  }
0x57: {  	_ =	shalt  }
0x58: {  	_ =	shalt  }
0x59: {  	_ =	shalt  }
0x5a: {  	_ =	shalt  }
0x5b: {  	_ =	shalt  }
0x5c: {  	_ =	shalt  }
0x5d: {  	_ =	shalt  }
0x5e: {  	_ =	shalt  }
0x5f: {  	_ =	shalt  }
0x60: {  	_ =	shalt  }
0x61: {  	_ =	shalt  }
0x62: {  	_ =	shalt  }
0x63: {  	_ =	shalt  }
0x64: {  	_ =	shalt  }
0x65: {  	_ =	shalt  }
0x66: {  	_ =	shalt  }
0x67: {  	_ =	shalt  }
0x68: {  	_ =	shalt  }
0x69: {  	_ =	shalt  }
0x6a: {  	_ =	shalt  }
0x6b: {  	_ =	shalt  }
0x6c: {  	_ =	shalt  }
0x6d: {  	_ =	shalt  }
0x6e: {  	_ =	shalt  }
0x6f: {  	_ =	shalt  }
0x70: {  	_ =	shalt  }
0x71: {  	_ =	shalt  }
0x72: {  	_ =	shalt  }
0x73: {  	_ =	shalt  }
0x74: {  	_ =	shalt  }
0x75: {  	_ =	shalt  }
0x76: {  	_ =	shalt  }
0x77: {  	_ =	shalt  }
0x78: {  	_ =	shalt  }
0x79: {  	_ =	shalt  }
0x7a: {  	_ =	shalt  }
0x7b: {  	_ =	shalt  }
0x7c: {  	_ =	shalt  }
0x7d: {  	_ =	shalt  }
0x7e: {  	_ =	shalt  }
0x7f: {  	_ =	shalt  }
0x80: {  	_ =	shalt  }
0x81: {  	_ =	shalt  }
0x82: {  	_ =	shalt  }
0x83: {  	_ =	shalt  }
0x84: {  	_ =	shalt  }
0x85: {  	_ =	shalt  }
0x86: {  	_ =	shalt  }
0x87: {  	_ =	shalt  }
.Lfunc_end0:
.L_simem_size_0:
called_computation.1_lowered:
.L_overlay_start_0:
0x88: {  	s2 =	sld [smem:$0x3FD9]  }
0x89: {  	s3 =	sld [smem:$0x3FFE];
	_ =	sdelay $0x1  }
0x8a: {  	s1 =	srdreg.scid  }
0x8b: {  	s0 =	sand.u32 $0x1, s1  }
0x8c: {  	s17 =	sshll.u32 s0, $0xA;
	s2 =	sadd.s32 s3, s2  }
0x8d: {  	s2 =	sadd.s32 s2, s17  }
0x8e: {  	[smem:$0x3FC1] =	sst s2  }
0x8f: {  	_ = 	snop  }
0x90: {  	s2 =	sld [smem:$0x3FD0];
	(tm) =	ssettm $0x1  }
0x91: {  	s18 =	sld [smem:$0x3FFB];
	_ =	sdelay $0x3  }
0x92: {  	_ =	strace s18  }
0x93: {  	s3 =	sld [smem:$0x3FFC];
	_ =	sdelay $0x3  }
0x94: {  	_ =	strace s3  }
0x95: {  	s3 =	sld [smem:$0x3FFD];
	_ =	sdelay $0x3  }
0x96: {  	_ =	strace s3  }
0x97: {  	_ =	strace $0x8FFFFFFF  }
0x98: {  	s19 =	sld [smem:$0x3FDB];
	_ =	sdelay $0x1  }
0x99: {  	s4 =	simm.s32 $_scs_section_size  }
0x9a: {  	s5 =	simm.s32 $_size__tile_overlayer_lowered;
	s6 =	simm.s32 $_tile_overlayer_lowered  }
0x9b: {  	s22 =	simm.s32 $0x1BFF;
	s21 =	sshll.u32 s6, $0x1;
	s3 =	sadd.s32 s4, s19  }
0x9c: {  	s7 =	simm.s32 $0x0;
	s20 =	sshll.u32 s5, $0x1;
	s5 =	sadd.s32 s21, s3  }
0x9d: {  	[timem:s7], [sflag:s22] =	dma.local [hbm:s5], s20  }
0x9e: {  	_ =	swait.ge [sflag:s22], s20  }
0x9f: {  	s4 =	ssub.s32 $0x0, s20;
	[sflag:s22] =	ssyncset.done $0x0  }
0xa0: {  	[sflag:s22] =	ssyncadd.s32 s4;
	_ =	sdelay $0x1  }
0xa1: {  	s23 =	simm.s32 $0x1B8B  }
0xa2: {  	_ =	swait.ge [sflag:s23], $0x1  }
0xa3: {  	[sflag:s23] =	ssyncset.done $0x0  }
0xa4: {  	s25 =	simm.s32 $0x1B8E;
	s24 =	sld [smem:$0x3FFE];
	[sflag:s23] =	ssyncadd.s32 $0xFFFFFFFF  }
0xa5: {  	s26 =	simm.s32 $execute0_lowered;
	[smem:$0x3FD2] =	sst s25  }
0xa6: {  	s5 =	sshll.u32 s26, $0x1;
	_ =	strace $0x80000049;
	[dreg:$0x1] =	wrdreg $0xFFFFFFFF  }
0xa7: {  	s28 =	simm.s32 $_size_execute0_lowered;
	s3 =	sadd.s32 s3, s5;
	[dreg:$0x0] =	wrdreg $0x0  }
0xa8: {  	s5 =	sshll.u32 s28, $0x1;
	[dreg:$0x2] =	wrdreg s3  }
0xa9: {  	[dreg:$0x3] =	wrdreg s5  }
0xaa: {  	[dreg:$0x4] =	wrdreg $0xC0  }
0xab: {  	_ =	task [dreg:s7], $0x5FFFF  }
0xac: {  	[dreg:$0x1] =	wrdreg $0xFFFFFFFF  }
0xad: {  	[dreg:$0x0] =	wrdreg $0x60  }
0xae: {  	[dreg:$0x2] =	wrdreg s2  }
0xaf: {  	[dreg:$0x3] =	wrdreg s24  }
0xb0: {  	[dreg:$0x4] =	wrdreg $0x64F00  }
0xb1: {  	[dreg:$0x5] =	wrdreg $0x9  }
0xb2: {  	_ =	task.clear_ibuf [dreg:s7], $0x6FFFF;
	_ =	strace $0x90000049  }
0xb3: {  	s29 =	simm.s32 $0x9;
	_ =	strace $0x8000004B  }
0xb4: {  	_ =	swait.ge [sflag:s29], $0x1  }
0xb5: {  	[sflag:s29] =	ssyncadd.s32 $0xFFFFFFFF  }
0xb6: {  	_ =	strace $0x9000004B  }
0xb7: {  	_ =	sfence  }
0xb8: {  	s30 =	sld [smem:$0x0];
	_ =	sdelay $0x2  }
0xb9: {  	s31 =	sshll.u32 s1, $0xD;
	s1 =	sshrl.u32 s1, $0x2  }
0xba: {  	s3 =	sand.u32 $0x4000, s31;
	s1 =	sadd.s32 s1, s30  }
0xbb: {  	s0 =	sor.u32 s3, s0;
	s1 =	sshll.u32 s1, $0x11  }
0xbc: {  	s0 =	sor.u32 s1, s0  }
0xbd: {  	s0 =	sadd.s32 $0x8F2B, s0  }
0xbe: {  	[sflag:s0] =	ssyncadd.remote.s32 $0x1  }
0xbf: {  	_ =	sfence.sel $0xFFFF  }
0xc0: {  	[dreg:$0x0] =	wrdreg $0xFFFFFFFF;
	(pc) =	sbr.abs _section_cstart, $3  }
0xc1: {  	[dreg:$0x1] =	wrdreg $0xFFFFFFFF  }
0xc2: {  	_ =	task.clear_ibuf [dreg:s7], $0x2FFFF;
	_ =	strace $0x9FFFFFFF  }
0xc3: {  	(tm) =	ssettm $0x7FFFFFFF  }
tec
execute0_lowered:
.L_overlay_start_1:
0x0: {  	(tag) =	ssettag $0x1  }
0x1: {  	s1 =	rddreg [dreg:$0x0]  }
0x2: {  	s9 =	rddreg [dreg:$0x1]  }
0x3: {  	s2 =	rddreg [dreg:$0x2];
	s3 =	srdreg.scid  }
0x4: {  	s0 =	rddreg [dreg:$0x3];
	s4 =	simm.s32 $0x0;
	s16 =	simm.s32 $0x5A50  }
0x5: {  	s17 =	simm.s32 $0x5AA0;
	s18 =	simm.s32 $0x50;
	s19 =	simm.s32 $0x500  }
0x6: {  	s20 =	simm.s32 $0x2D00;
	s10 =	sand.u32 $0x1, s3;
	s3 =	stileid.u32  }
0x7: {  	[smem:$0x7FF] =	sst s4;
	s5 =	sadd.s32 $0x7B800, s9;
	s8 =	smul.u32 $0x168000, s10  }
0x8: {  	s6 =	sadd.s32 $0x1600, s9;
	s7 =	sadd.s32 $0x37400, s9;
	s11 =	smul.u32 $0x16800, s3  }
0x9: {  	_ =	strace $0x8000004A;
	s13 =	ssub.s32 $0x2, s10;
	s10 =	sshll.u32 s10, $0x4  }
0xa: {  	vm0 =	vcmask $0x704;
	s15 =	smul.u32 $0x5A000, s3;
	s14 =	sshrl.u32 s13, $0x1;
	s30 =	sor.u32 s3, s10  }
0xb: {  	v0 =	vimm.f32 $0.0e+00;
	vm1 =	vcmask $0x3F08;
	vm3 =	vcmask $0xB08;
	s12 =	sadd.s32 s11, s8;
	s8 =	sadd.s32 $0x2D600, s9;
	s13 =	ssub.s32 s13, s14  }
0xc: {  	vm4 =	vcmask $0xF0C;
	vm0 =	vmneg vm0;
	vm2 =	vmneg vm1;
	s31 =	sshrl.u32 s15, $0x2;
	s21 =	sadd.s32 s11, s2;
	s14 =	simm.s32 $0x1  }
0xd: {  	vm3 =	vmneg vm3;
	vm2 =	vmand vm2, vm0;
	vm0 =	vmneg vm4;
	s15 =	simm.s32 $0x5A00;
	s12 =	sshrl.u32 s12, $0x3;
	s11 =	smax.u32 s13, $0x1  }
0xe: {  	vm5 =	vcmask $0x3F04;
	vm1 =	vmor vm1, vm2;
	vm6 =	vmand vm0, vm3;
	s13 =	simm.s32 $0x5BF0;
	s21 =	sshrl.u32 s21, $0x3;
	s12 =	sadd.s32 s12, s9  }
0xf: {  	vm2 =	vmmov $0xf;
	vm3 =	vmneg vm5;
	vm4 =	vmor vm4, vm6;
	s9 =	smul.u32 $0x2710, s30;
	s10 =	sadd.s32 $0xA2A00, s12;
	s12 =	sadd.s32 s31, s2  }
.LBB2_1:
0x10: {  	s22 =	simm.s32 $0x0;
	s23 =	simm.s32 $0x240  }
.LBB2_2:
0x11: {  	p0 =	sne.s32 s23, $0x21C0;
	[tilespmem:s22+$0x5C70] =	vst v0  }
0x12: {  	[tilespmem:s22+$0x5BF0] =	vst v0  }
0x13: {  	[tilespmem:s22+$0x5C00] =	vst v0  }
0x14: {  	[tilespmem:s22+$0x5C10] =	vst v0  }
.Ltmp0:
0x15: {  	[tilespmem:s22+$0x5C20] =	vst v0;
	(pc) =	sbr.rel @p0 .LBB2_2-.Ltmp0, $4  }
0x16: {  	[tilespmem:s22+$0x5C30] =	vst v0  }
0x17: {  	[tilespmem:s22+$0x5C40] =	vst v0  }
0x18: {  	[tilespmem:s22+$0x5C50] =	vst v0  }
0x19: {  	[tilespmem:s22+$0x5C60] =	vst v0;
	s22 =	sshra.s32 s23, $0x2;
	s23 =	sadd.s32 $0x240, s23  }
0x1a: {  	[tilespmem:s22+$0x5C70] =	vst v0  }
0x1b: {  	[tilespmem:s22+$0x5BF0] =	vst v0  }
0x1c: {  	[tilespmem:s22+$0x5C00] =	vst v0  }
0x1d: {  	[tilespmem:s22+$0x5C10] =	vst v0  }
0x1e: {  	[tilespmem:s22+$0x5C20] =	vst v0  }
0x1f: {  	[tilespmem:s22+$0x5C30] =	vst v0  }
0x20: {  	[tilespmem:s22+$0x5C40] =	vst v0  }
0x21: {  	[tilespmem:s22+$0x5C50] =	vst v0  }
0x22: {  	[tilespmem:s22+$0x5C60] =	vst v0;
	s31 =	sadd.s32 $0x0, s12  }
0x23: {  	[spmem:s31] =	stream.linear.scatter [tilespmem:s13], [sflag:$0x1], $0x900, $0x38;
	[tilespmem:$0x1CCF0] =	vst v63  }
0x24: {  	s22 =	simm.s32 $0x2400;
	_ =	swait.ge [sflag:s14], $0x900  }
.LBB2_4:
0x25: {  	s23 =	sshra.s32 s22, $0x2;
	[sflag:s14] =	ssyncset.done $0x0;
	p0 =	sne.s32 s22, $0x57C00  }
.Ltmp1:
0x26: {  	s23 =	sadd.s32 s23, s12;
	[sflag:s14] =	ssyncadd.s32 $0xFFFFF700;
	(pc) =	sbr.rel @p0 .LBB2_4-.Ltmp1, $3  }
0x27: {  	[spmem:s23] =	stream.linear.scatter [tilespmem:s13], [sflag:$0x1], $0x900, $0x38;
	[tilespmem:$0x1CCF0] =	vst v63  }
0x28: {  	s22 =	sadd.s32 $0x2400, s22;
	_ =	sdelay $0x1  }
0x29: {  	_ =	swait.ge [sflag:s14], $0x900  }
0x2a: {  	[sflag:s14] =	ssyncset.done $0x0  }
0x2b: {  	[sflag:s14] =	ssyncadd.s32 $0xFFFFF700  }
0x2c: {  	s22 =	simm.s32 $0x0;
	s23 =	simm.s32 $0x0;
	[bflag:$0x0] =	sbarrier.arrive $0xFFFF  }
.LBB2_6:
0x2d: {  	s24 =	smul.u32 $0x50, s23;
	_ =	sdelay $0x1  }
0x2e: {  	s24 =	sadd.s32 s9, s24  }
0x2f: {  	s25 =	sshrl.u32 s24, $0x3  }
0x30: {  	s26 =	sadd.s32 s7, s25  }
0x31: {  	[tilespmem:s15], [sflag:$0x1] =	stream.linear.gather [hbm4b:s26+s22], $0x50, $0x38;
	[tilespmem:$0x1CCF0] =	vst v63  }
0x32: {  	_ =	swait.ge [sflag:s14], $0x50  }
0x33: {  	[sflag:s14] =	ssyncset.done $0x0  }
0x34: {  	s25 =	sadd.s32 s8, s25;
	[sflag:s14] =	ssyncadd.s32 $0xFFFFFFB0  }
0x35: {  	[tilespmem:s16], [sflag:$0x1] =	stream.linear.gather [hbm4b:s25+s22], $0x50, $0x38;
	[tilespmem:$0x1CCF0] =	vst v63  }
0x36: {  	_ =	swait.ge [sflag:s14], $0x50  }
0x37: {  	s24 =	sshrl.u32 s24, $0x1;
	[sflag:s14] =	ssyncset.done $0x0  }
0x38: {  	s24 =	sadd.s32 s5, s24;
	[sflag:s14] =	ssyncadd.s32 $0xFFFFFFB0  }
0x39: {  	[tilespmem:s17], [sflag:$0x1] =	stream.linear.gather [hbm4b:s24+s22], $0x140, $0x38;
	[tilespmem:$0x1CCF0] =	vst v63  }
0x3a: {  	_ =	swait.ge [sflag:s14], $0x140  }
0x3b: {  	[sflag:s14] =	ssyncset.done $0x0  }
0x3c: {  	[sflag:s14] =	ssyncadd.s32 $0xFFFFFEC0  }
0x3d: {  	[tilespmem:s19], [sflag:$0x1] =	stream.indirect.gather [hbm4b:s1+s18], $0x80, s16, s18, $0xb8;
	[tilespmem:$0x1CCF0] =	vst v63  }
0x3e: {  	_ =	swait.ge [sflag:s14], $0x2800  }
0x3f: {  	[sflag:s14] =	ssyncset.done $0x0  }
0x40: {  	[sflag:s14] =	ssyncadd.s32 $0xFFFFD800  }
0x41: {  	[tilespmem:s22], [sflag:$0x1] =	stream.indirect.gather [hbm4b:s6+s18], $0x10, s15, s18, $0xb8;
	[tilespmem:$0x1CCF0] =	vst v63  }
0x42: {  	_ =	swait.ge [sflag:s14], $0x500  }
0x43: {  	[sflag:s14] =	ssyncset.done $0x0  }
0x44: {  	[sflag:s14] =	ssyncadd.s32 $0xFFFFFB00  }
0x45: {  	s31 =	simm.s32 $0x0;
	v1 =	vld [tilespmem:s22+$0x0]  }
0x46: {  	v2 =	vld [tilespmem:s31+$0x5AA0];
	_ =	sdelay $0x4  }
0x47: {  	v1 =	vsub.f32 v2, v1;
	_ =	sdelay $0x1  }
0x48: {  	v1 =	vmul.f32 $1.442695020e+00, v1;
	_ =	sdelay $0x1  }
0x49: {  	(erf) = vpow2.f32 v1;
	_ =	sdelay $0x8  }
0x4a: {  	v1 =	vpop (erf)  }
0x4b: {  	v1 =	vnsel vm2, $0x0, v1  }
0x4c: {  	v2 =	vnsel vm3, $0x0, v1  }
0x4d: {  	(xrf2) =	vadd.scan.msk.f32 $0xffff, v2;
	_ =	sdelay $0x6  }
0x4e: {  	s24 =	simm.s32 $0x540  }
0x4f: {  	v2 =	vld [tilespmem:s24+$0xFFFFFFC0];
	_ =	sdelay $0x1  }
0x50: {  	v3, _, _ =	vpop (xrf2)  }
0x51: {  	v3 =	vbroadcast v3, $0xF;
	_ =	sdelay $0x1  }
0x52: {  	v2 =	vmul.f32 v3, v2  }
0x53: {  	s25 =	simm.s32 $0x2D40  }
0x54: {  	v4 =	vsel vm1, $0x0, v1;
	[tilespmem:s25+$0xFFFFFFC0] =	vst v2  }
0x55: {  	(xrf2) =	vadd.scan.msk.f32 $0xffff, v4;
	v2 =	vld [tilespmem:s24+$0xFFFFFFD0];
	_ =	sdelay $0x4  }
0x56: {  	v2 =	vmul.f32 v3, v2;
	_ =	sdelay $0x1  }
0x57: {  	[tilespmem:s25+$0xFFFFFFD0] =	vst v2  }
0x58: {  	v2 =	vld [tilespmem:s24+$0xFFFFFFE0];
	_ =	sdelay $0x1  }
0x59: {  	v3, _, _ =	vpop (xrf2)  }
0x5a: {  	v3 =	vbroadcast v3, $0xF;
	_ =	sdelay $0x1  }
0x5b: {  	v2 =	vmul.f32 v3, v2;
	_ =	sdelay $0x1  }
0x5c: {  	v62 =	vsel vm4, $0x0, v1;
	[tilespmem:s25+$0xFFFFFFE0] =	vst v2  }
0x5d: {  	(xrf2) =	vadd.scan.msk.f32 $0xffff, v62;
	v2 =	vld [tilespmem:s24+$0xFFFFFFF0];
	_ =	sdelay $0x4  }
0x5e: {  	v2 =	vmul.f32 v3, v2;
	_ =	sdelay $0x1  }
0x5f: {  	[tilespmem:s25+$0xFFFFFFF0] =	vst v2  }
0x60: {  	v2 =	vld [tilespmem:s24+$0x0];
	_ =	sdelay $0x1  }
0x61: {  	v3, _, _ =	vpop (xrf2)  }
0x62: {  	v3 =	vbroadcast v3, $0xF;
	_ =	sdelay $0x1  }
0x63: {  	v2 =	vmul.f32 v2, v3;
	_ =	sdelay $0x1  }
0x64: {  	v63 =	vsel vm0, $0x0, v1;
	[tilespmem:s25+$0x0] =	vst v2  }
0x65: {  	(xrf2) =	vadd.scan.msk.f32 $0xffff, v63;
	v2 =	vld [tilespmem:s24+$0x10];
	_ =	sdelay $0x4  }
0x66: {  	v2 =	vmul.f32 v2, v3;
	_ =	sdelay $0x1  }
0x67: {  	[tilespmem:s25+$0x10] =	vst v2  }
0x68: {  	v2 =	vld [tilespmem:s24+$0x20];
	_ =	sdelay $0x1  }
0x69: {  	v3, _, _ =	vpop (xrf2)  }
0x6a: {  	v3 =	vbroadcast v3, $0xF;
	_ =	sdelay $0x1  }
0x6b: {  	v2 =	vmul.f32 v2, v3;
	_ =	sdelay $0x1  }
0x6c: {  	[tilespmem:s25+$0x20] =	vst v2  }
0x6d: {  	v2 =	vld [tilespmem:s24+$0x30];
	_ =	sdelay $0x4  }
0x6e: {  	s28 =	simm.s32 $0x0;
	s26 =	simm.s32 $0x10;
	[tilespmem:s25+$0x40] =	vst v1;
	v1 =	vmul.f32 v2, v3  }
.LBB2_7:
0x6f: {  	_ = 	snop  }
0x70: {  	s28 =	sadd.s32 $0x10, s28;
	s24 =	sadd.s32 $0x80, s24;
	[tilespmem:s25+$0x30] =	vst v1;
	s25 =	sadd.s32 $0x90, s25  }
0x71: {  	s29 =	sshra.s32 s26, $0x2;
	p0 =	sne.s32 s26, $0x4F0;
	s26 =	sadd.s32 $0x10, s26;
	v1 =	vld [tilespmem:s28+$0x0]  }
0x72: {  	v2 =	vld [tilespmem:s29+$0x5AA0];
	_ =	sdelay $0x4  }
0x73: {  	v1 =	vsub.f32 v2, v1;
	_ =	sdelay $0x1  }
0x74: {  	v1 =	vmul.f32 $1.442695020e+00, v1;
	_ =	sdelay $0x1  }
0x75: {  	(erf) = vpow2.f32 v1;
	_ =	sdelay $0x8  }
0x76: {  	v1 =	vpop (erf)  }
0x77: {  	v1 =	vnsel vm2, $0x0, v1  }
0x78: {  	v2 =	vnsel vm3, $0x0, v1;
	v3 =	vsel vm1, $0x0, v1;
	v4 =	vsel vm4, $0x0, v1  }
0x79: {  	v5 =	vsel vm0, $0x0, v1;
	(xrf2) =	vadd.scan.msk.f32 $0xffff, v2;
	_ =	sdelay $0x2  }
0x7a: {  	(xrf2) =	vadd.scan.msk.f32 $0xffff, v3;
	_ =	sdelay $0x2  }
0x7b: {  	(xrf2) =	vadd.scan.msk.f32 $0xffff, v4;
	_ =	sdelay $0x1  }
0x7c: {  	v2 =	vld [tilespmem:s24+$0xFFFFFFC0]  }
0x7d: {  	(xrf2) =	vadd.scan.msk.f32 $0xffff, v5  }
0x7e: {  	v3, _, _ =	vpop (xrf2)  }
0x7f: {  	v3 =	vbroadcast v3, $0xF;
	_ =	sdelay $0x1  }
0x80: {  	v2 =	vmul.f32 v3, v2;
	v4, _, _ =	vpop (xrf2);
	_ =	sdelay $0x1  }
0x81: {  	[tilespmem:s25+$0xFFFFFFC0] =	vst v2  }
0x82: {  	v2 =	vld [tilespmem:s24+$0xFFFFFFD0];
	v5, _, _ =	vpop (xrf2);
	_ =	sdelay $0x2  }
0x83: {  	v6, _, _ =	vpop (xrf2);
	_ =	sdelay $0x1  }
0x84: {  	v2 =	vmul.f32 v3, v2;
	_ =	sdelay $0x1  }
0x85: {  	[tilespmem:s25+$0xFFFFFFD0] =	vst v2  }
0x86: {  	v2 =	vld [tilespmem:s24+$0xFFFFFFE0];
	_ =	sdelay $0x2  }
0x87: {  	v3 =	vbroadcast v4, $0xF;
	_ =	sdelay $0x1  }
0x88: {  	v2 =	vmul.f32 v3, v2;
	_ =	sdelay $0x1  }
0x89: {  	[tilespmem:s25+$0xFFFFFFE0] =	vst v2  }
0x8a: {  	v2 =	vld [tilespmem:s24+$0xFFFFFFF0];
	_ =	sdelay $0x4  }
0x8b: {  	v2 =	vmul.f32 v3, v2;
	_ =	sdelay $0x1  }
0x8c: {  	[tilespmem:s25+$0xFFFFFFF0] =	vst v2  }
0x8d: {  	v2 =	vld [tilespmem:s24+$0x0];
	_ =	sdelay $0x2  }
0x8e: {  	v3 =	vbroadcast v5, $0xF;
	_ =	sdelay $0x1  }
0x8f: {  	v2 =	vmul.f32 v2, v3;
	_ =	sdelay $0x1  }
0x90: {  	[tilespmem:s25+$0x0] =	vst v2  }
0x91: {  	v2 =	vld [tilespmem:s24+$0x10];
	_ =	sdelay $0x4  }
0x92: {  	v2 =	vmul.f32 v2, v3;
	_ =	sdelay $0x1  }
0x93: {  	[tilespmem:s25+$0x10] =	vst v2  }
0x94: {  	v2 =	vld [tilespmem:s24+$0x20];
	_ =	sdelay $0x2  }
0x95: {  	v3 =	vbroadcast v6, $0xF;
	_ =	sdelay $0x1  }
0x96: {  	v2 =	vmul.f32 v2, v3;
	_ =	sdelay $0x1  }
0x97: {  	[tilespmem:s25+$0x20] =	vst v2  }
0x98: {  	v2 =	vld [tilespmem:s24+$0x30]  }
.Ltmp2:
0x99: {  	[tilespmem:s25+$0x40] =	vst v1;
	(pc) =	sbr.rel @p0 .LBB2_7-.Ltmp2, $2  }
0x9a: {  	_ =	sdelay $0x2  }
0x9b: {  	v1 =	vmul.f32 v2, v3  }
0x9c: {  	s23 =	sadd.s32 $0x1, s23  }
0x9d: {  	p0 =	sne.s32 s23, $0x7D  }
.Ltmp3:
0x9e: {  	[tilespmem:s25+$0x30] =	vst v1;
	(pc) =	sbr.rel @p0 .LBB2_6-.Ltmp3, $4  }
0x9f: {  	[spmem:s2] =	stream.indirect.scatter.add.f32 [tilespmem:s20], [sflag:$0x1], $0x90, s15, s18, $0xb8;
	[tilespmem:$0x1CCF0] =	vst v63  }
0xa0: {  	_ =	swait.ge [sflag:s14], $0x2D00  }
0xa1: {  	[sflag:s14] =	ssyncset.done $0x0  }
0xa2: {  	[sflag:s14] =	ssyncadd.s32 $0xFFFFD300  }
0xa3: {  	s4 =	sadd.s32 $0x1, s4  }
0xa4: {  	s22 =	sshll.u32 s3, $0x6;
	p0 =	sne.s32 s4, s11  }
.Ltmp4:
0xa5: {  	[bflag:$0x0] =	sbarrier.arrive $0xFFFF;
	s22 =	sor.u32 $0x1C01, s22;
	(pc) =	sbr.rel @p0 .LBB2_1-.Ltmp4, $4  }
0xa6: {  	[hbm:s10], [sflag:s22] =	dma.local [spmem:s21], $0x2D00  }
0xa7: {  	_ =	swait.ge [sflag:s14], $0x2D00  }
0xa8: {  	[sflag:s14] =	ssyncset.done $0x0  }
0xa9: {  	[sflag:s14] =	ssyncadd.s32 $0xFFFFD300  }
0xaa: {  	_ =	sfence.sel $0x180000  }
0xab: {  	[bflag:$0x0] =	sbarrier.arrive $0xFFFF  }
0xac: {  	p0 =	sne.s32 s3, $0x0;
	_ =	strace $0x9000004A  }
0xad: {  	s0 =	sadd.s32 @!p0 $0x100000, s0;
	[bflag:$0x2] =	sbarrier.arrive $0xFFFF  }
0xae: {  	[sflag:s0] =	ssyncadd.tile.s32 @!p0 $0x1;
	_ =	shalt  }
.Lfunc_end2:
_tile_overlayer_lowered:
.L_overlay_start_2:
0xaf: {  	(tag) =	ssettag $0x2  }
0xb0: {  	s0 =	rddreg [dreg:$0x0];
	s2 =	stileid.u32  }
0xb1: {  	s1 =	rddreg [dreg:$0x1];
	p0 =	sne.s32 s2, $0x0  }
0xb2: {  	s3 =	rddreg [dreg:$0x2];
	[bflag:$0x3] =	sbarrier.arrive $0xFFFF;
	s2 =	simm.s32 @!p0 $0x1C01  }
0xb3: {  	[timem:s3], [sflag:s2] =	dma.local @!p0 [hbm:s0], s1  }
0xb4: {  	s0 =	simm.s32 @!p0 $0x1  }
0xb5: {  	_ =	swait.ge @!p0 [sflag:s0], s1  }
0xb6: {  	s1 =	ssub.s32 @!p0 $0x0, s1;
	[sflag:s0] =	ssyncset.done @!p0 $0x0  }
0xb7: {  	[sflag:s0] =	ssyncadd.s32 @!p0 s1  }
0xb8: {  	[bflag:$0x3] =	sbarrier.arrive $0xFFFF  }
0xb9: {  	_ =	shalt  }

// kernel: kernel.7.cloned.1.call-start
scs
__scs_entry_jumppad:
0x0: {  	(pc) =	sbr.rel $0x88, $3  }
0x1: {  	(tag) =	ssettag $0x0;
	lr =	simm.s32 $0x1  }
0x2: {  	[smem:$0x3F9A] =	sst lr;
	_ =	strace $0xD0000000  }
0x3: {  	_ = 	snop  }
0x4: {  	_ = 	snop  }
0x5: {  	_ = 	snop  }
0x6: {  	_ = 	snop  }
0x7: {  	_ = 	snop  }
__scs_overlays_trampoline_lowered:
0x8: {  	[smem:$0x3FA9] =	sst s0  }
0x9: {  	[smem:$0x3FAA] =	sst s1  }
0xa: {  	[smem:$0x3FAB] =	sst s2  }
0xb: {  	[smem:$0x3FAC] =	sst s3  }
0xc: {  	[smem:$0x3FAD] =	sst s4  }
0xd: {  	[smem:$0x3FAE] =	sst s5  }
0xe: {  	[smem:$0x3FAF] =	sst s6  }
0xf: {  	[smem:$0x3FB0] =	sst s7  }
0x10: {  	[smem:$0x3FB1] =	sst s8  }
0x11: {  	[smem:$0x3FB2] =	sst s9;
	s0 =	simm.s32 @!p0 $0x0  }
0x12: {  	s1 =	sld [smem:$0x3F98];
	s0 =	simm.s32 @p0 $0x1  }
0x13: {  	[smem:$0x3FB3] =	sst s0;
	s0 =	simm.s32 @!p1 $0x0  }
0x14: {  	s2 =	sld [smem:$0x3F97];
	s0 =	simm.s32 @p1 $0x1  }
0x15: {  	[smem:$0x3FB4] =	sst s0;
	s0 =	simm.s32 @!p2 $0x0  }
0x16: {  	s3 =	sld [smem:$0x3FDB];
	s0 =	simm.s32 @p2 $0x1  }
0x17: {  	s4 =	simm.s32 $0x1BF5;
	[smem:$0x3FB6] =	sst s0  }
0x18: {  	s0 =	sld [smem:$0x3F99];
	_ =	swait.ge [sflag:s4], $0x0  }
0x19: {  	s7 =	sld [smem:$0x3F9A]  }
0x1a: {  	s8 =	sadd.s32 $0xFFFFE003, lr  }
0x1b: {  	s9 =	sadd.s32 $0xFFFFFEF7, lr;
	s5 =	simm.s32 $0xFFFFFFFF;
	p2 =	slt.u32 s8, $0xFFFFF086  }
0x1c: {  	p1 =	slt.u32 s9, $0xF7A;
	s5 =	simm.s32 @!p2 $0x0  }
0x1d: {  	s5 =	simm.s32 @p1 $0x1;
	p0 =	seq.s32 s7, s2  }
0x1e: {  	s7 =	smul.u32 @!p0 $0xF7A, s2;
	p2 =	seq.s32 @!p0 s5, $0x0  }
0x1f: {  	s9 =	smul.u32 $0xF7A, s1;
	s8 =	simm.s32 @!p0 $0x1BF5;
	p2 =	por !p2, p0  }
0x20: {  	[sflag:s8] =	ssyncset.s32 @!p0 $0xFFFFF086;
	s6 =	sadd.s32 @!p0 s3, s7;
	s7 =	simm.s32 @!p0 $0x108  }
0x21: {  	s3 =	sadd.s32 s3, s9;
	s6 =	sadd.s32 @!p0 $0x88, s6;
	s7 =	simm.s32 @p2 $0x1082  }
0x22: {  	[simem:s7], [sflag:s8] =	dma.local @!p0 [hbm:s6], $0xF7A  }
0x23: {  	s9 =	sor.u32 $0xD0000000, s2;
	s6 =	simm.s32 $0x108;
	_ =	swait.ge @!p0 [sflag:s8], $0x0  }
0x24: {  	s3 =	sadd.s32 $0x88, s3;
	s6 =	simm.s32 @!p1 $0x1082;
	[sflag:s4] =	ssyncset.s32 $0xFFFFF086  }
0x25: {  	[simem:s6], [sflag:s4] =	dma.local [hbm:s3], $0xF7A  }
0x26: {  	[smem:$0x3F9A] =	sst s1;
	(tag) =	ssettag s2;
	_ =	strace s9  }
0x27: {  	s1 =	sld [smem:$0x3FAA]  }
0x28: {  	s2 =	sld [smem:$0x3FAB]  }
0x29: {  	s4 =	sld [smem:$0x3FAD]  }
0x2a: {  	p0 =	seq.s32 s5, $0x0;
	s5 =	sld [smem:$0x3FAE]  }
0x2b: {  	s6 =	sld [smem:$0x3FAF]  }
0x2c: {  	s7 =	sld [smem:$0x3FB0]  }
0x2d: {  	s3 =	simm.s32 $0x108;
	s8 =	sld [smem:$0x3FB1]  }
0x2e: {  	s3 =	simm.s32 @!p0 $0x1082;
	s9 =	sld [smem:$0x3FB2]  }
0x2f: {  	lr =	sadd.s32 s0, s3;
	s0 =	sld [smem:$0x3FA9]  }
0x30: {  	s3 =	sld [smem:$0x3FAC]  }
0x31: {  	[smem:$0x3FB5] =	sst s10  }
0x32: {  	s10 =	sld [smem:$0x3FB3];
	_ =	sdelay $0x3  }
0x33: {  	p0 =	seq.s32 s10, $0x1;
	s10 =	sld [smem:$0x3FB5];
	_ =	sdelay $0x3  }
0x34: {  	[smem:$0x3FB5] =	sst s10  }
0x35: {  	s10 =	sld [smem:$0x3FB4];
	_ =	sdelay $0x3  }
0x36: {  	p1 =	seq.s32 s10, $0x1;
	s10 =	sld [smem:$0x3FB5];
	_ =	sdelay $0x3  }
0x37: {  	[smem:$0x3FB5] =	sst s10  }
0x38: {  	s10 =	sld [smem:$0x3FB6]  }
0x39: {  	_ = 	snop;
	(pc) =	sbr.ind lr, $3  }
0x3a: {  	_ = 	snop  }
0x3b: {  	_ = 	snop  }
0x3c: {  	p2 =	seq.s32 s10, $0x1;
	s10 =	sld [smem:$0x3FB5]  }
0x3d: {  	_ =	shalt  }
0x3e: {  	_ =	shalt  }
0x3f: {  	_ =	shalt  }
0x40: {  	_ =	shalt  }
0x41: {  	_ =	shalt  }
0x42: {  	_ =	shalt  }
0x43: {  	_ =	shalt  }
0x44: {  	_ =	shalt  }
0x45: {  	_ =	shalt  }
0x46: {  	_ =	shalt  }
0x47: {  	_ =	shalt  }
0x48: {  	_ =	shalt  }
0x49: {  	_ =	shalt  }
0x4a: {  	_ =	shalt  }
0x4b: {  	_ =	shalt  }
0x4c: {  	_ =	shalt  }
0x4d: {  	_ =	shalt  }
0x4e: {  	_ =	shalt  }
0x4f: {  	_ =	shalt  }
0x50: {  	_ =	shalt  }
0x51: {  	_ =	shalt  }
0x52: {  	_ =	shalt  }
0x53: {  	_ =	shalt  }
0x54: {  	_ =	shalt  }
0x55: {  	_ =	shalt  }
0x56: {  	_ =	shalt  }
0x57: {  	_ =	shalt  }
0x58: {  	_ =	shalt  }
0x59: {  	_ =	shalt  }
0x5a: {  	_ =	shalt  }
0x5b: {  	_ =	shalt  }
0x5c: {  	_ =	shalt  }
0x5d: {  	_ =	shalt  }
0x5e: {  	_ =	shalt  }
0x5f: {  	_ =	shalt  }
0x60: {  	_ =	shalt  }
0x61: {  	_ =	shalt  }
0x62: {  	_ =	shalt  }
0x63: {  	_ =	shalt  }
0x64: {  	_ =	shalt  }
0x65: {  	_ =	shalt  }
0x66: {  	_ =	shalt  }
0x67: {  	_ =	shalt  }
0x68: {  	_ =	shalt  }
0x69: {  	_ =	shalt  }
0x6a: {  	_ =	shalt  }
0x6b: {  	_ =	shalt  }
0x6c: {  	_ =	shalt  }
0x6d: {  	_ =	shalt  }
0x6e: {  	_ =	shalt  }
0x6f: {  	_ =	shalt  }
0x70: {  	_ =	shalt  }
0x71: {  	_ =	shalt  }
0x72: {  	_ =	shalt  }
0x73: {  	_ =	shalt  }
0x74: {  	_ =	shalt  }
0x75: {  	_ =	shalt  }
0x76: {  	_ =	shalt  }
0x77: {  	_ =	shalt  }
0x78: {  	_ =	shalt  }
0x79: {  	_ =	shalt  }
0x7a: {  	_ =	shalt  }
0x7b: {  	_ =	shalt  }
0x7c: {  	_ =	shalt  }
0x7d: {  	_ =	shalt  }
0x7e: {  	_ =	shalt  }
0x7f: {  	_ =	shalt  }
0x80: {  	_ =	shalt  }
0x81: {  	_ =	shalt  }
0x82: {  	_ =	shalt  }
0x83: {  	_ =	shalt  }
0x84: {  	_ =	shalt  }
0x85: {  	_ =	shalt  }
0x86: {  	_ =	shalt  }
0x87: {  	_ =	shalt  }
.Lfunc_end0:
.L_simem_size_0:
called_computation_lowered:
.L_overlay_start_0:
0x88: {  	s2 =	sld [smem:$0x3FD9]  }
0x89: {  	s3 =	sld [smem:$0x3FFE];
	_ =	sdelay $0x1  }
0x8a: {  	s1 =	srdreg.scid  }
0x8b: {  	s0 =	sand.u32 $0x1, s1  }
0x8c: {  	s16 =	sshll.u32 s0, $0xA;
	s2 =	sadd.s32 s3, s2  }
0x8d: {  	s2 =	sadd.s32 s2, s16  }
0x8e: {  	[smem:$0x3FC1] =	sst s2  }
0x8f: {  	_ = 	snop  }
0x90: {  	(tm) =	ssettm $0x1  }
0x91: {  	s17 =	sld [smem:$0x3FFB];
	_ =	sdelay $0x3  }
0x92: {  	_ =	strace s17  }
0x93: {  	s2 =	sld [smem:$0x3FFC];
	_ =	sdelay $0x3  }
0x94: {  	_ =	strace s2  }
0x95: {  	s2 =	sld [smem:$0x3FFD];
	_ =	sdelay $0x3  }
0x96: {  	_ =	strace s2  }
0x97: {  	_ =	strace $0x8FFFFFFF  }
0x98: {  	s18 =	sld [smem:$0x3FDB];
	_ =	sdelay $0x1  }
0x99: {  	s19 =	simm.s32 $_scs_section_size  }
0x9a: {  	s4 =	simm.s32 $_size__tile_overlayer_lowered;
	s5 =	simm.s32 $_tile_overlayer_lowered  }
0x9b: {  	s22 =	simm.s32 $0x1BFF;
	s21 =	sshll.u32 s5, $0x1;
	s2 =	sadd.s32 s19, s18  }
0x9c: {  	s6 =	simm.s32 $0x0;
	s20 =	sshll.u32 s4, $0x1;
	s4 =	sadd.s32 s21, s2  }
0x9d: {  	[timem:s6], [sflag:s22] =	dma.local [hbm:s4], s20  }
0x9e: {  	_ =	swait.ge [sflag:s22], s20  }
0x9f: {  	s3 =	ssub.s32 $0x0, s20;
	[sflag:s22] =	ssyncset.done $0x0  }
0xa0: {  	[sflag:s22] =	ssyncadd.s32 s3;
	_ =	sdelay $0x1  }
0xa1: {  	s23 =	simm.s32 $0x1B8B  }
0xa2: {  	_ =	swait.ge [sflag:s23], $0x1  }
0xa3: {  	[sflag:s23] =	ssyncset.done $0x0  }
0xa4: {  	s25 =	simm.s32 $0x1B8E;
	s24 =	sld [smem:$0x3FFE];
	[sflag:s23] =	ssyncadd.s32 $0xFFFFFFFF  }
0xa5: {  	s26 =	simm.s32 $execute0_lowered;
	[smem:$0x3FD2] =	sst s25  }
0xa6: {  	s4 =	sshll.u32 s26, $0x1;
	_ =	strace $0x80000046;
	[dreg:$0x1] =	wrdreg $0xFFFFFFFF  }
0xa7: {  	s28 =	simm.s32 $_size_execute0_lowered;
	s2 =	sadd.s32 s2, s4;
	[dreg:$0x0] =	wrdreg $0x0  }
0xa8: {  	s4 =	sshll.u32 s28, $0x1;
	[dreg:$0x2] =	wrdreg s2  }
0xa9: {  	[dreg:$0x3] =	wrdreg s4  }
0xaa: {  	[dreg:$0x4] =	wrdreg $0xC0  }
0xab: {  	_ =	task [dreg:s6], $0x5FFFF  }
0xac: {  	[dreg:$0x1] =	wrdreg $0xFFFFFFFF  }
0xad: {  	[dreg:$0x0] =	wrdreg $0x60  }
0xae: {  	[dreg:$0x2] =	wrdreg s24  }
0xaf: {  	[dreg:$0x3] =	wrdreg $0x110F00  }
0xb0: {  	[dreg:$0x4] =	wrdreg $0x9  }
0xb1: {  	_ =	task.clear_ibuf [dreg:s6], $0x5FFFF;
	_ =	strace $0x90000046  }
0xb2: {  	s29 =	simm.s32 $0x9;
	_ =	strace $0x80000048  }
0xb3: {  	_ =	swait.ge [sflag:s29], $0x1  }
0xb4: {  	[sflag:s29] =	ssyncadd.s32 $0xFFFFFFFF  }
0xb5: {  	_ =	strace $0x90000048  }
0xb6: {  	_ =	sfence  }
0xb7: {  	s30 =	sld [smem:$0x0];
	_ =	sdelay $0x2  }
0xb8: {  	s31 =	sshll.u32 s1, $0xD;
	s1 =	sshrl.u32 s1, $0x2  }
0xb9: {  	s3 =	sand.u32 $0x4000, s31;
	s1 =	sadd.s32 s1, s30  }
0xba: {  	s0 =	sor.u32 s3, s0;
	s1 =	sshll.u32 s1, $0x11  }
0xbb: {  	s0 =	sor.u32 s1, s0  }
0xbc: {  	s0 =	sadd.s32 $0x8F2B, s0  }
0xbd: {  	[sflag:s0] =	ssyncadd.remote.s32 $0x1  }
0xbe: {  	_ =	sfence.sel $0xFFFF  }
0xbf: {  	[dreg:$0x0] =	wrdreg $0xFFFFFFFF;
	(pc) =	sbr.abs _section_cstart, $3  }
0xc0: {  	[dreg:$0x1] =	wrdreg $0xFFFFFFFF  }
0xc1: {  	_ =	task.clear_ibuf [dreg:s6], $0x2FFFF;
	_ =	strace $0x9FFFFFFF  }
0xc2: {  	(tm) =	ssettm $0x7FFFFFFF  }
0xc3: {  	_ =	shalt  }
tec
execute0_lowered:
.L_overlay_start_1:
0x0: {  	(tag) =	ssettag $0x1  }
0x1: {  	s0 =	rddreg [dreg:$0x0]  }
0x2: {  	s10 =	rddreg [dreg:$0x1]  }
0x3: {  	s3 =	srdreg.scid;
	s1 =	stileid.u32;
	s2 =	simm.s32 $0x0  }
0x4: {  	s14 =	simm.s32 $0x1;
	s15 =	simm.s32 $0x5A50;
	s16 =	simm.s32 $0x50  }
0x5: {  	s17 =	simm.s32 $0x2D00;
	s18 =	simm.s32 $0x5BF0;
	s19 =	simm.s32 $0x5AA0  }
0x6: {  	s20 =	simm.s32 $0x5CF0;
	s21 =	simm.s32 $0xFCF0;
	s22 =	simm.s32 $0x106F0  }
0x7: {  	s23 =	simm.s32 $0x0;
	s8 =	sand.u32 $0x1, s3;
	s11 =	smul.u32 $0xA00, s1  }
0x8: {  	[smem:$0x7FF] =	sst s2;
	s3 =	sadd.s32 $0x1600, s0;
	s4 =	sadd.s32 $0x4F800, s0  }
0x9: {  	s5 =	sadd.s32 $0x37400, s0;
	s7 =	sadd.s32 $0x7B800, s0;
	s13 =	smul.u32 $0x28000, s1  }
0xa: {  	s6 =	smul.u32 $0xA000, s8;
	s12 =	ssub.s32 $0x2, s8;
	s8 =	sshll.u32 s8, $0x4  }
0xb: {  	_ =	strace $0x80000047;
	s30 =	sshrl.u32 s12, $0x1;
	s8 =	sor.u32 s1, s8  }
0xc: {  	v0 =	vlaneseq.u32;
	s31 =	sshrl.u32 s13, $0x2;
	s13 =	simm.s32 $0x5A00;
	s9 =	sadd.s32 s11, s6  }
0xd: {  	v2 =	vmul.u32 $0x10, v0;
	s6 =	sadd.s32 $0x2D600, s0;
	s12 =	ssub.s32 s12, s30;
	s9 =	sshrl.u32 s9, $0x3  }
0xe: {  	s8 =	smul.u32 $0x2710, s8;
	s12 =	smax.u32 s12, $0x1;
	s0 =	sadd.s32 s9, s0  }
0xf: {  	v1 =	vimm.f32 $-3.000000010e+38;
	v2 =	vor.u32 $0xF, v2;
	s9 =	sadd.s32 s31, s10;
	s10 =	sadd.s32 s11, s10;
	s11 =	sadd.s32 $0x41200, s0  }
.LBB2_1:
0x10: {  	s0 =	simm.s32 $0x40;
	s24 =	simm.s32 $0x0  }
.LBB2_2:
0x11: {  	p0 =	sne.s32 s0, $0x27FC0;
	[tilespmem:s24+$0x5CF0] =	vst v1;
	s24 =	smov.u32 s0;
	s0 =	sadd.s32 $0x40, s0  }
.Ltmp0:
0x12: {  	(pc) =	sbr.rel @p0 .LBB2_2-.Ltmp0, $2  }
0x13: {  	_ =	sdelay $0x2  }
0x14: {  	s24 =	sshra.s32 s24, $0x2  }
0x15: {  	[tilespmem:s24+$0x5CF0] =	vst v1;
	s24 =	simm.s32 $0x0;
	s25 =	simm.s32 $0x0  }
.LBB2_4:
0x16: {  	s0 =	smul.u32 $0x50, s25;
	_ =	sdelay $0x1  }
0x17: {  	s26 =	sadd.s32 s8, s0  }
0x18: {  	s0 =	sshrl.u32 s26, $0x3  }
0x19: {  	s28 =	sadd.s32 s5, s0  }
0x1a: {  	[tilespmem:s13], [sflag:$0x1] =	stream.linear.gather [hbm4b:s28+s24], $0x50, $0x38;
	[tilespmem:$0x1B0F0] =	vst v63  }
0x1b: {  	_ =	swait.ge [sflag:s14], $0x50  }
0x1c: {  	[sflag:s14] =	ssyncset.done $0x0  }
0x1d: {  	s0 =	sadd.s32 s6, s0;
	[sflag:s14] =	ssyncadd.s32 $0xFFFFFFB0  }
0x1e: {  	[tilespmem:s15], [sflag:$0x1] =	stream.linear.gather [hbm4b:s0+s24], $0x50, $0x38;
	[tilespmem:$0x1B0F0] =	vst v63  }
0x1f: {  	_ =	swait.ge [sflag:s14], $0x50  }
0x20: {  	[sflag:s14] =	ssyncset.done $0x0  }
0x21: {  	[sflag:s14] =	ssyncadd.s32 $0xFFFFFFB0  }
0x22: {  	[tilespmem:s24], [sflag:$0x1] =	stream.indirect.gather [hbm4b:s3+s16], $0x90, s13, s16, $0xb8;
	[tilespmem:$0x1B0F0] =	vst v63  }
0x23: {  	_ =	swait.ge [sflag:s14], $0x2D00  }
0x24: {  	[sflag:s14] =	ssyncset.done $0x0  }
0x25: {  	[sflag:s14] =	ssyncadd.s32 $0xFFFFD300  }
0x26: {  	[tilespmem:s17], [sflag:$0x1] =	stream.indirect.gather [hbm4b:s4+s16], $0x90, s15, s16, $0xb8;
	[tilespmem:$0x1B0F0] =	vst v63  }
0x27: {  	_ =	swait.ge [sflag:s14], $0x2D00  }
0x28: {  	[sflag:s14] =	ssyncset.done $0x0  }
0x29: {  	s28 =	simm.s32 $0x40;
	[sflag:s14] =	ssyncadd.s32 $0xFFFFD300  }
0x2a: {  	s29 =	simm.s32 $0x2D40;
	v3 =	vld [tilespmem:s28+$0xFFFFFFC0]  }
0x2b: {  	v4 =	vld [tilespmem:s29+$0xFFFFFFD0]  }
0x2c: {  	v5 =	vld [tilespmem:s29+$0xFFFFFFC0]  }
0x2d: {  	v6 =	vld [tilespmem:s28+$0xFFFFFFD0];
	_ =	sdelay $0x4  }
0x2e: {  	v3 =	vmul.f32 v5, v3;
	v4 =	vmul.f32 v4, v6;
	_ =	sdelay $0x1  }
0x2f: {  	v3 =	vadd.f32 v4, v3;
	_ =	sdelay $0x1  }
0x30: {  	(xrf2) =	vadd.scan.msk.f32 $0xffff, v3;
	_ =	sdelay $0x9  }
0x31: {  	v3, _, _ =	vpop (xrf2)  }
0x32: {  	[tilespmem:$0x5BF0] =	vst v3  }
0x33: {  	v3 =	vld [tilespmem:s29+$0xFFFFFFE0]  }
0x34: {  	v4 =	vld [tilespmem:s28+$0xFFFFFFF0]  }
0x35: {  	v5 =	vld [tilespmem:s29+$0xFFFFFFF0]  }
0x36: {  	v6 =	vld [tilespmem:s28+$0xFFFFFFE0];
	_ =	sdelay $0x4  }
0x37: {  	v4 =	vmul.f32 v5, v4;
	v3 =	vmul.f32 v3, v6;
	_ =	sdelay $0x1  }
0x38: {  	v3 =	vadd.f32 v4, v3;
	_ =	sdelay $0x1  }
0x39: {  	(xrf2) =	vadd.scan.msk.f32 $0xffff, v3;
	_ =	sdelay $0x9  }
0x3a: {  	v3, _, _ =	vpop (xrf2)  }
0x3b: {  	[tilespmem:$0x5C00] =	vst v3  }
0x3c: {  	v3 =	vld [tilespmem:s29+$0x0]  }
0x3d: {  	v4 =	vld [tilespmem:s28+$0x10]  }
0x3e: {  	v5 =	vld [tilespmem:s29+$0x10]  }
0x3f: {  	v6 =	vld [tilespmem:s28+$0x0];
	_ =	sdelay $0x4  }
0x40: {  	v4 =	vmul.f32 v5, v4;
	v3 =	vmul.f32 v3, v6;
	_ =	sdelay $0x1  }
0x41: {  	v3 =	vadd.f32 v4, v3;
	_ =	sdelay $0x1  }
0x42: {  	(xrf2) =	vadd.scan.msk.f32 $0xffff, v3;
	_ =	sdelay $0x9  }
0x43: {  	v3, _, _ =	vpop (xrf2)  }
0x44: {  	[tilespmem:$0x5C10] =	vst v3  }
0x45: {  	v3 =	vld [tilespmem:s29+$0x30]  }
0x46: {  	v4 =	vld [tilespmem:s29+$0x20]  }
0x47: {  	v5 =	vld [tilespmem:s28+$0x30]  }
0x48: {  	v6 =	vld [tilespmem:s28+$0x20];
	_ =	sdelay $0x4  }
0x49: {  	v3 =	vmul.f32 v3, v5;
	v4 =	vmul.f32 v4, v6;
	_ =	sdelay $0x1  }
0x4a: {  	v3 =	vadd.f32 v3, v4;
	_ =	sdelay $0x1  }
0x4b: {  	(xrf2) =	vadd.scan.msk.f32 $0xffff, v3;
	_ =	sdelay $0x9  }
0x4c: {  	v3, _, _ =	vpop (xrf2)  }
0x4d: {  	[tilespmem:$0x5C20] =	vst v3  }
0x4e: {  	v3 =	vld [tilespmem:s28+$0x40]  }
0x4f: {  	v4 =	vld [tilespmem:s29+$0x40];
	_ =	sdelay $0x1  }
0x50: {  	v5 =	vld.idx.msk [tilespmem:v2+s18+$0x0], $0xffff;
	_ =	sdelay $0x2  }
0x51: {  	v3 =	vadd.f32 v4, v3;
	_ =	sdelay $0x1  }
0x52: {  	v4 =	vadd.s32 s24, v0;
	v3 =	vadd.f32 v3, v5  }
0x53: {  	v5 =	vmov s24  }
0x54: {  	v6 =	vmul.f32 $2.000000030e-01, v3  }
0x55: {  	vm0 =	vgt.f32 v3, $0.0e+00  }
0x56: {  	v3 =	vsel vm0, v3, v6  }
0x57: {  	[tilespmem:v4+s19+$0x0] =	vst.idx.msk $0xf, v3  }
0x58: {  	v4 =	vld.idx.msk [tilespmem:v5+s13+$0x0], $0xffff;
	_ =	sdelay $0x4  }
0x59: {  	v4 =	vshll.u32 v4, $0x2  }
0x5a: {  	s30 =	simm.s32 $0x1;
	s31 =	simm.s32 $0x0;
	v4 =	vadd.s32 v0, v4  }
.LBB2_5:
0x5b: {  	_ = 	snop  }
0x5c: {  	s31 =	sadd.s32 $0x4, s31;
	s29 =	sadd.s32 $0x90, s29;
	s28 =	sadd.s32 $0x90, s28  }
0x5d: {  	p0 =	sne.s32 s30, $0x4F;
	s0 =	smov.u32 s30;
	s30 =	sadd.s32 $0x1, s30  }
0x5e: {  	_ = 	snop  }
0x5f: {  	v5 =	vld.idx.msk [tilespmem:v4+s20+$0x0], $0xf;
	_ =	sdelay $0x5  }
0x60: {  	v3 =	vmax.f32 v5, v3  }
0x61: {  	[tilespmem:v4+s20+$0x0] =	vst.idx.msk $0xf, v3  }
0x62: {  	v3 =	vld [tilespmem:s28+$0xFFFFFFC0]  }
0x63: {  	v4 =	vld [tilespmem:s29+$0xFFFFFFD0]  }
0x64: {  	v5 =	vld [tilespmem:s29+$0xFFFFFFC0]  }
0x65: {  	v6 =	vld [tilespmem:s28+$0xFFFFFFD0];
	_ =	sdelay $0x3  }
0x66: {  	v3 =	vmul.f32 v5, v3  }
0x67: {  	v4 =	vmul.f32 v4, v6;
	_ =	sdelay $0x1  }
0x68: {  	v3 =	vadd.f32 v4, v3;
	_ =	sdelay $0x1  }
0x69: {  	(xrf2) =	vadd.scan.msk.f32 $0xffff, v3;
	_ =	sdelay $0x9  }
0x6a: {  	v3, _, _ =	vpop (xrf2)  }
0x6b: {  	[tilespmem:$0x5BF0] =	vst v3  }
0x6c: {  	v3 =	vld [tilespmem:s29+$0xFFFFFFE0]  }
0x6d: {  	v4 =	vld [tilespmem:s28+$0xFFFFFFF0]  }
0x6e: {  	v5 =	vld [tilespmem:s29+$0xFFFFFFF0]  }
0x6f: {  	v6 =	vld [tilespmem:s28+$0xFFFFFFE0];
	_ =	sdelay $0x3  }
0x70: {  	v4 =	vmul.f32 v5, v4  }
0x71: {  	v3 =	vmul.f32 v3, v6;
	_ =	sdelay $0x1  }
0x72: {  	v3 =	vadd.f32 v4, v3;
	_ =	sdelay $0x1  }
0x73: {  	(xrf2) =	vadd.scan.msk.f32 $0xffff, v3;
	_ =	sdelay $0x9  }
0x74: {  	v3, _, _ =	vpop (xrf2)  }
0x75: {  	[tilespmem:$0x5C00] =	vst v3  }
0x76: {  	v3 =	vld [tilespmem:s29+$0x0]  }
0x77: {  	v4 =	vld [tilespmem:s28+$0x10]  }
0x78: {  	v5 =	vld [tilespmem:s29+$0x10]  }
0x79: {  	v6 =	vld [tilespmem:s28+$0x0];
	_ =	sdelay $0x3  }
0x7a: {  	v4 =	vmul.f32 v5, v4  }
0x7b: {  	v3 =	vmul.f32 v3, v6;
	_ =	sdelay $0x1  }
0x7c: {  	v3 =	vadd.f32 v4, v3;
	_ =	sdelay $0x1  }
0x7d: {  	(xrf2) =	vadd.scan.msk.f32 $0xffff, v3;
	_ =	sdelay $0x9  }
0x7e: {  	v3, _, _ =	vpop (xrf2)  }
0x7f: {  	[tilespmem:$0x5C10] =	vst v3  }
0x80: {  	v3 =	vld [tilespmem:s29+$0x30]  }
0x81: {  	v4 =	vld [tilespmem:s29+$0x20]  }
0x82: {  	v5 =	vld [tilespmem:s28+$0x30]  }
0x83: {  	v6 =	vld [tilespmem:s28+$0x20];
	_ =	sdelay $0x3  }
0x84: {  	v3 =	vmul.f32 v3, v5  }
0x85: {  	v4 =	vmul.f32 v4, v6;
	_ =	sdelay $0x1  }
0x86: {  	v3 =	vadd.f32 v3, v4;
	_ =	sdelay $0x1  }
0x87: {  	(xrf2) =	vadd.scan.msk.f32 $0xffff, v3;
	_ =	sdelay $0x9  }
0x88: {  	v3, _, _ =	vpop (xrf2)  }
0x89: {  	[tilespmem:$0x5C20] =	vst v3  }
0x8a: {  	v3 =	vld [tilespmem:s28+$0x40]  }
0x8b: {  	v4 =	vld [tilespmem:s29+$0x40]  }
0x8c: {  	v5 =	vld.idx.msk [tilespmem:v2+s18+$0x0], $0xffff;
	_ =	sdelay $0x3  }
0x8d: {  	v3 =	vadd.f32 v4, v3;
	_ =	sdelay $0x1  }
0x8e: {  	v4 =	vadd.s32 s31, v0;
	v3 =	vadd.f32 v3, v5  }
0x8f: {  	v5 =	vmov s0  }
0x90: {  	v6 =	vmul.f32 $2.000000030e-01, v3  }
0x91: {  	vm0 =	vgt.f32 v3, $0.0e+00  }
0x92: {  	v3 =	vsel vm0, v3, v6  }
0x93: {  	[tilespmem:v4+s19+$0x0] =	vst.idx.msk $0xf, v3  }
0x94: {  	v4 =	vld.idx.msk [tilespmem:v5+s13+$0x0], $0xffff;
	_ =	sdelay $0x2  }
.Ltmp1:
0x95: {  	(pc) =	sbr.rel @p0 .LBB2_5-.Ltmp1, $3  }
0x96: {  	_ =	sdelay $0x1  }
0x97: {  	v4 =	vshll.u32 v4, $0x2  }
0x98: {  	v4 =	vadd.s32 v0, v4  }
0x99: {  	_ =	sdelay $0x3  }
0x9a: {  	v5 =	vld.idx.msk [tilespmem:v4+s20+$0x0], $0xf;
	_ =	sdelay $0x3  }
0x9b: {  	s25 =	sadd.s32 $0x1, s25  }
0x9c: {  	s0 =	sshrl.u32 s26, $0x1;
	p0 =	sne.s32 s25, $0x7D;
	v3 =	vmax.f32 v5, v3  }
.Ltmp2:
0x9d: {  	s0 =	sadd.s32 s7, s0;
	[tilespmem:v4+s20+$0x0] =	vst.idx.msk $0xf, v3;
	(pc) =	sbr.rel @p0 .LBB2_4-.Ltmp2, $4  }
0x9e: {  	[hbm4b:s0+s2] =	stream.linear.scatter [tilespmem:s19], [sflag:$0x1], $0x140, $0x38;
	[tilespmem:$0x1B0F0] =	vst v63  }
0x9f: {  	_ =	swait.ge [sflag:s14], $0x140  }
0xa0: {  	[sflag:s14] =	ssyncset.done $0x0  }
0xa1: {  	[sflag:s14] =	ssyncadd.s32 $0xFFFFFEC0  }
0xa2: {  	[spmem:s9] =	stream.linear.scatter [tilespmem:s20], [sflag:$0x1], $0xA000, $0x38;
	[tilespmem:$0x1B0F0] =	vst v63  }
0xa3: {  	_ =	swait.ge [sflag:s14], $0xA000  }
0xa4: {  	[sflag:s14] =	ssyncset.done $0x0  }
0xa5: {  	[sflag:s14] =	ssyncadd.s32 $0xFFFF6000  }
0xa6: {  	[bflag:$0x0] =	sbarrier.arrive $0xFFFF  }
0xa7: {  	[tilespmem:s21], [sflag:$0x1] =	stream.linear.gather [spmem:s10], $0xA00, $0x38;
	[tilespmem:$0x1B0F0] =	vst v63  }
0xa8: {  	_ =	swait.ge [sflag:s14], $0xA00  }
0xa9: {  	[sflag:s14] =	ssyncset.done $0x0  }
0xaa: {  	s0 =	simm.s32 $0x0;
	[sflag:s14] =	ssyncadd.s32 $0xFFFFF600  }
.LBB2_9:
0xab: {  	s0 =	sadd.s32 $0x1, s0  }
0xac: {  	s24 =	smul.u32 $0x28000, s0;
	_ =	sdelay $0x1  }
0xad: {  	s24 =	sshra.s32 s24, $0x2  }
0xae: {  	s24 =	sadd.s32 s24, s10  }
0xaf: {  	[tilespmem:s22], [sflag:$0x1] =	stream.linear.gather [spmem:s24], $0xA00, $0x38;
	[tilespmem:$0x1B0F0] =	vst v63  }
0xb0: {  	_ =	swait.ge [sflag:s14], $0xA00  }
0xb1: {  	[sflag:s14] =	ssyncset.done $0x0  }
0xb2: {  	s24 =	simm.s32 $0x0;
	[sflag:s14] =	ssyncadd.s32 $0xFFFFF600  }
0xb3: {  	s25 =	simm.s32 $0x40;
	v3 =	vld [tilespmem:s24+$0x106F0]  }
.LBB2_10:
0xb4: {  	p0 =	seq.s32 s25, $0x27C0;
	v4 =	vld [tilespmem:s24+$0xFCF0];
	_ =	sdelay $0x1  }
.Ltmp3:
0xb5: {  	(pc) =	sbr.rel @!p0 .LBB2_10-.Ltmp3, $3  }
0xb6: {  	_ =	sdelay $0x1  }
0xb7: {  	s26 =	sshra.s32 s25, $0x2;
	v4 =	vmax.f32 v4, v3  }
0xb8: {  	s25 =	sadd.s32 $0x40, s25;
	v3 =	vld [tilespmem:s26+$0x106F0];
	[tilespmem:s24+$0xFCF0] =	vst v4;
	s24 =	smov.u32 s26  }
0xb9: {  	v4 =	vld [tilespmem:s24+$0xFCF0];
	_ =	sdelay $0x4  }
0xba: {  	v3 =	vmax.f32 v4, v3  }
0xbb: {  	[tilespmem:s24+$0xFCF0] =	vst v3  }
0xbc: {  	p0 =	seq.s32 s0, $0xF  }
.Ltmp4:
0xbd: {  	_ = 	snop;
	(pc) =	sbr.rel @!p0 .LBB2_9-.Ltmp4, $1  }
0xbe: {  	_ =	sdelay $0x3  }
0xbf: {  	s23 =	sadd.s32 $0x1, s23  }
0xc0: {  	p0 =	sne.s32 s23, s12  }
.Ltmp5:
0xc1: {  	_ = 	snop;
	(pc) =	sbr.rel @p0 .LBB2_1-.Ltmp5, $4  }
0xc2: {  	[hbm4b:s11+s2] =	stream.linear.scatter [tilespmem:s21], [sflag:$0x1], $0xA00, $0x38;
	[tilespmem:$0x1B0F0] =	vst v63  }
0xc3: {  	_ =	swait.ge [sflag:s14], $0xA00  }
0xc4: {  	[sflag:s14] =	ssyncset.done $0x0  }
0xc5: {  	[sflag:s14] =	ssyncadd.s32 $0xFFFFF600  }
0xc6: {  	_ =	sfence.sel $0x180000  }
0xc7: {  	[bflag:$0x0] =	sbarrier.arrive $0xFFFF  }
0xc8: {  	_ =	strace $0x90000047  }
0xc9: {  	[bflag:$0x2] =	sbarrier.arrive $0xFFFF  }
0xca: {  	p0 =	sne.s32 s1, $0x0;
	s0 =	rddreg [dreg:$0x2]  }
0xcb: {  	s0 =	sadd.s32 @!p0 $0x100000, s0  }
0xcc: {  	[sflag:s0] =	ssyncadd.tile.s32 @!p0 $0x1;
	_ =	shalt  }
.Lfunc_end2:
_tile_overlayer_lowered:
.L_overlay_start_2:
0xcd: {  	(tag) =	ssettag $0x2  }
0xce: {  	s0 =	rddreg [dreg:$0x0];
	s2 =	stileid.u32  }
0xcf: {  	s1 =	rddreg [dreg:$0x1];
	p0 =	sne.s32 s2, $0x0  }
0xd0: {  	s3 =	rddreg [dreg:$0x2];
	[bflag:$0x3] =	sbarrier.arrive $0xFFFF;
	s2 =	simm.s32 @!p0 $0x1C01  }
0xd1: {  	[timem:s3], [sflag:s2] =	dma.local @!p0 [hbm:s0], s1  }
0xd2: {  	s0 =	simm.s32 @!p0 $0x1  }
0xd3: {  	_ =	swait.ge @!p0 [sflag:s0], s1  }
0xd4: {  	s1 =	ssub.s32 @!p0 $0x0, s1;
	[sflag:s0] =	ssyncset.done @!p0 $0x0  }
0xd5: {  	[sflag:s0] =	ssyncadd.s32 @!p0 s1  }
0xd6: {  	[bflag:$0x3] =	sbarrier.arrive $0xFFFF  }
0xd7: {  	_ =	shalt  }

</sc_bundles>
